<compile_context>
chip_gen: v7x
topology: tpu7x:2x2x1
jax: 0.10.2.dev20260603
libtpu: 0.0.44.dev20260713+nightly
codegen_flags: <defaults>
</compile_context>

<pallas_src>
import functools

import jax
import jax.numpy as jnp
from jax import lax
from jax.experimental import pallas as pl
from jax.experimental.pallas import tpu as pltpu
from jax.experimental.pallas import tpu_sc as plsc

N_NODES = 10000
D = 128
E = 320000
LANES = 16

N_PAD = 10240
EPT_ROWS = 80
N_TILES = 32
E_PAD = N_TILES * EPT_ROWS * 128
IDX_ROWS = E_PAD // 128
ROWS_PER_TILE = N_PAD // 16

TC_BLOCK = 1024
TC_GRID = N_PAD // TC_BLOCK

_mesh = plsc.VectorSubcoreMesh(core_axis_name="c", subcore_axis_name="s")



@functools.partial(
    pl.kernel,
    mesh=_mesh,
    out_type=jax.ShapeDtypeStruct((2, N_PAD, D), jnp.float32),
    scratch_types=[
        pltpu.VMEM((EPT_ROWS, 128), jnp.int32),
        pltpu.VMEM((128, D), jnp.float32),
        pltpu.VMEM_SHARED((N_PAD, D), jnp.float32),
    ],
)
def _deg_kernel(dst_hbm, out_hbm, dst_v, ones_v, sdeg):
    cid = lax.axis_index("c")
    sid = lax.axis_index("s")
    tid = cid * 16 + sid

    one = jnp.full((LANES,), 1.0, jnp.float32)
    zero = jnp.zeros((LANES,), jnp.float32)

    def zfill(i, carry):
        for k in range(D // LANES):
            ones_v[i, pl.ds(k * LANES, LANES)] = zero
        return carry

    lax.fori_loop(0, 128, zfill, 0)

    for k in range(ROWS_PER_TILE // 128):
        pltpu.sync_copy(
            ones_v, sdeg.at[pl.ds(sid * ROWS_PER_TILE + k * 128, 128)])
    pltpu.sync_copy(dst_hbm.at[pl.ds(tid * EPT_ROWS, EPT_ROWS)], dst_v)

    def ofill(i, carry):
        for k in range(D // LANES):
            ones_v[i, pl.ds(k * LANES, LANES)] = one
        return carry

    lax.fori_loop(0, 128, ofill, 0)

    plsc.subcore_barrier()

    def body(j, carry):
        pltpu.sync_copy(ones_v, sdeg.at[dst_v.at[j]], add=True)
        return carry

    lax.fori_loop(0, EPT_ROWS, body, 0)

    plsc.subcore_barrier()
    pltpu.sync_copy(
        sdeg.at[pl.ds(sid * ROWS_PER_TILE, ROWS_PER_TILE)],
        out_hbm.at[cid, pl.ds(sid * ROWS_PER_TILE, ROWS_PER_TILE)],
    )


@functools.partial(
    pl.kernel,
    mesh=_mesh,
    out_type=jax.ShapeDtypeStruct((2, N_PAD, D), jnp.float32),
    scratch_types=[
        pltpu.VMEM((EPT_ROWS, 128), jnp.int32),
        pltpu.VMEM((EPT_ROWS, 128), jnp.int32),
        pltpu.VMEM((128, D), jnp.float32),
        pltpu.VMEM_SHARED((N_PAD, D), jnp.float32),
        pltpu.SemaphoreType.DMA,
    ],
)
def _agg_kernel(g_hbm, src_hbm, dst_hbm, out_hbm,
                src_v, dst_v, rows_v, acc, sem):
    cid = lax.axis_index("c")
    sid = lax.axis_index("s")
    tid = cid * 16 + sid

    zero = jnp.zeros((LANES,), jnp.float32)

    def fill(i, carry):
        for k in range(D // LANES):
            rows_v[i, pl.ds(k * LANES, LANES)] = zero
        return carry

    lax.fori_loop(0, 128, fill, 0)

    for k in range(ROWS_PER_TILE // 128):
        pltpu.sync_copy(
            rows_v, acc.at[pl.ds(sid * ROWS_PER_TILE + k * 128, 128)])
    pltpu.sync_copy(src_hbm.at[pl.ds(tid * EPT_ROWS, EPT_ROWS)], src_v)
    pltpu.sync_copy(dst_hbm.at[pl.ds(tid * EPT_ROWS, EPT_ROWS)], dst_v)

    plsc.subcore_barrier()

    def body(j, carry):
        pltpu.async_copy(g_hbm.at[src_v.at[j]], rows_v, sem).wait()
        pltpu.sync_copy(rows_v, acc.at[dst_v.at[j]], add=True)
        return carry

    lax.fori_loop(0, EPT_ROWS, body, 0)

    plsc.subcore_barrier()
    pltpu.sync_copy(
        acc.at[pl.ds(sid * ROWS_PER_TILE, ROWS_PER_TILE)],
        out_hbm.at[cid, pl.ds(sid * ROWS_PER_TILE, ROWS_PER_TILE)],
    )



def _first_body(x_ref, w_ref, degp_ref, g_ref, dis_ref):
    deg = degp_ref[0] + degp_ref[1] + 1.0
    dis = lax.rsqrt(deg)
    h = jnp.dot(x_ref[...], w_ref[...], preferred_element_type=jnp.float32)
    g_ref[...] = h * dis
    dis_ref[...] = dis


def _mid_body(accp_ref, g_ref, dis_ref, b_ref, w_ref, o_ref):
    s = accp_ref[0] + accp_ref[1] + g_ref[...]
    dis = dis_ref[...]
    a = jnp.maximum(s * dis + b_ref[...], 0.0)
    o_ref[...] = jnp.dot(
        a, w_ref[...], preferred_element_type=jnp.float32) * dis


def _last_body(accp_ref, g_ref, dis_ref, b_ref, z_ref):
    s = accp_ref[0] + accp_ref[1] + g_ref[...]
    z_ref[...] = s * dis_ref[...] + b_ref[...]


_first_tc = pl.pallas_call(
    _first_body,
    grid=(TC_GRID,),
    in_specs=[
        pl.BlockSpec((TC_BLOCK, D), lambda i: (i, 0)),
        pl.BlockSpec((D, D), lambda i: (0, 0)),
        pl.BlockSpec((2, TC_BLOCK, D), lambda i: (0, i, 0)),
    ],
    out_specs=[
        pl.BlockSpec((TC_BLOCK, D), lambda i: (i, 0)),
        pl.BlockSpec((TC_BLOCK, D), lambda i: (i, 0)),
    ],
    out_shape=[
        jax.ShapeDtypeStruct((N_PAD, D), jnp.float32),
        jax.ShapeDtypeStruct((N_PAD, D), jnp.float32),
    ],
)

_mid_tc = pl.pallas_call(
    _mid_body,
    grid=(TC_GRID,),
    in_specs=[
        pl.BlockSpec((2, TC_BLOCK, D), lambda i: (0, i, 0)),
        pl.BlockSpec((TC_BLOCK, D), lambda i: (i, 0)),
        pl.BlockSpec((TC_BLOCK, D), lambda i: (i, 0)),
        pl.BlockSpec((1, D), lambda i: (0, 0)),
        pl.BlockSpec((D, D), lambda i: (0, 0)),
    ],
    out_specs=pl.BlockSpec((TC_BLOCK, D), lambda i: (i, 0)),
    out_shape=jax.ShapeDtypeStruct((N_PAD, D), jnp.float32),
)

_last_tc = pl.pallas_call(
    _last_body,
    grid=(TC_GRID,),
    in_specs=[
        pl.BlockSpec((2, TC_BLOCK, D), lambda i: (0, i, 0)),
        pl.BlockSpec((TC_BLOCK, D), lambda i: (i, 0)),
        pl.BlockSpec((TC_BLOCK, D), lambda i: (i, 0)),
        pl.BlockSpec((1, D), lambda i: (0, 0)),
    ],
    out_specs=pl.BlockSpec((TC_BLOCK, D), lambda i: (i, 0)),
    out_shape=jax.ShapeDtypeStruct((N_PAD, D), jnp.float32),
)


def kernel(x, edge_index, W0, b0, W1, b1, W2, b2):
    src = edge_index[0]
    dst = edge_index[1]
    pad_e = E_PAD - E
    src_r = jnp.pad(src, (0, pad_e), constant_values=N_NODES).reshape(
        IDX_ROWS, 128)
    dst_r = jnp.pad(dst, (0, pad_e), constant_values=N_NODES).reshape(
        IDX_ROWS, 128)
    x_pad = jnp.pad(x, ((0, N_PAD - N_NODES), (0, 0)))

    degp = _deg_kernel(dst_r)
    g0, dis16 = _first_tc(x_pad, W0, degp)
    a0 = _agg_kernel(g0, src_r, dst_r)
    g1 = _mid_tc(a0, g0, dis16, b0.reshape(1, D), W1)
    a1 = _agg_kernel(g1, src_r, dst_r)
    g2 = _mid_tc(a1, g1, dis16, b1.reshape(1, D), W2)
    a2 = _agg_kernel(g2, src_r, dst_r)
    z = _last_tc(a2, g2, dis16, b2.reshape(1, D))
    return z[:N_NODES]

# --- scband reference (transcript-rebuilt; emitter-appended) ---
"""Pipeline reference for scband-gcn-12206297055426 (READ-ONLY COPY).

The authoritative reference and input builder live on the scoring server;
editing this copy changes nothing except your own understanding.
"""

import jax, jax.numpy as jnp
import numpy as np

N_NODES = 10000
N_EDGES = 320000
D_IN = 128
D_HID = 128
D_OUT = 128


def gcn_conv(x, edge_index, W, b):
    # Linear transform
    h = x @ W
    n = h.shape[0]
    src = edge_index[0]
    dst = edge_index[1]
    # Add self-loops (GCNConv default add_self_loops=True)
    loop = jnp.arange(n, dtype=src.dtype)
    src = jnp.concatenate([src, loop])
    dst = jnp.concatenate([dst, loop])
    # Symmetric normalization: deg computed on destination (col) with unit edge weights
    deg = jnp.zeros((n,), dtype=h.dtype).at[dst].add(1.0)
    deg_inv_sqrt = jnp.where(deg > 0, deg ** -0.5, 0.0)
    norm = deg_inv_sqrt[src] * deg_inv_sqrt[dst]
    # Message passing: gather from src, scatter-add to dst
    msg = h[src] * norm[:, None]
    out = jnp.zeros_like(h).at[dst].add(msg)
    return out + b


def setup_inputs(seed: int = 0) -> dict:
    key = jax.random.key(seed)
    ks = jax.random.split(key, 8)
    x = jax.random.normal(ks[0], (N_NODES, D_IN), dtype=jnp.float32)
    edge_index = jax.random.randint(ks[1], (2, N_EDGES), 0, N_NODES, dtype=jnp.int32)
    # Glorot-style init for conv weights
    s0 = (6.0 / (D_IN + D_HID)) ** 0.5
    s1 = (6.0 / (D_HID + D_HID)) ** 0.5
    s2 = (6.0 / (D_HID + D_OUT)) ** 0.5
    W0 = jax.random.uniform(ks[2], (D_IN, D_HID), dtype=jnp.float32, minval=-s0, maxval=s0)
    b0 = jnp.zeros((D_HID,), dtype=jnp.float32)
    W1 = jax.random.uniform(ks[3], (D_HID, D_HID), dtype=jnp.float32, minval=-s1, maxval=s1)
    b1 = jnp.zeros((D_HID,), dtype=jnp.float32)
    W2 = jax.random.uniform(ks[4], (D_HID, D_OUT), dtype=jnp.float32, minval=-s2, maxval=s2)
    b2 = jnp.zeros((D_OUT,), dtype=jnp.float32)
    return {"x": x, "edge_index": edge_index, "W0": W0, "b0": b0, "W1": W1, "b1": b1, "W2": W2, "b2": b2}


def reference(x, edge_index, W0, b0, W1, b1, W2, b2):
    # GCN.encode: relu after all but the last conv
    h = jax.nn.relu(gcn_conv(x, edge_index, W0, b0))
    h = jax.nn.relu(gcn_conv(h, edge_index, W1, b1))
    z = gcn_conv(h, edge_index, W2, b2)
    return z

if __name__ == "__main__":
    import jax
    _d = setup_inputs()
    print(jax.jit(kernel)(*tuple(_d.values())))

</pallas_src>

<mosaic_0001>
#map = affine_map<(d0, d1) -> (0, 0)>
#map1 = affine_map<(d0, d1) -> (0, 0, 0)>
module attributes {stable_mosaic.version = 14 : i64} {
  func.func @_agg_kernel(%arg0: i32, %arg1: i32, %arg2: memref<10240x128xf32, #tpu.memory_space<hbm>>, %arg3: memref<2560x128xi32, #tpu.memory_space<hbm>>, %arg4: memref<2560x128xi32, #tpu.memory_space<hbm>>, %arg5: memref<2x10240x128xf32, #tpu.memory_space<hbm>>, %arg6: memref<80x128xi32, #tpu.memory_space<vmem>>, %arg7: memref<80x128xi32, #tpu.memory_space<vmem>>, %arg8: memref<128x128xf32, #tpu.memory_space<vmem>>, %arg9: memref<10240x128xf32, #tpu.memory_space<vmem_shared>>, %arg10: memref<!tpu.dma_semaphore, #tpu.memory_space<semaphore_mem>>) attributes {dimension_semantics = [#tpu.dimension_semantics<core_parallel>, #tpu.dimension_semantics<subcore_parallel>], iteration_bounds = array<i64: 2, 16>, scalar_prefetch = 0 : i64, scratch_operands = 5 : i64, tpu.core_type = #tpu.core_type<sc_vector_subcore>, window_params = [{transform_indices = #map}, {transform_indices = #map}, {transform_indices = #map}, {transform_indices = #map1}]} {
    %mul3A = arith.constant 16 : i32
    %mul3A_0 = arith.muli %arg0, %mul3A : i32
    %add3A = arith.addi %mul3A_0, %arg1 : i32
    %broadcast_in_dim3A = arith.constant 0.000000e+00 : f32
    %broadcast_in_dim3A_1 = vector.broadcast %broadcast_in_dim3A : f32 to vector<16xf32>
    %scan3A = arith.constant 0 : i32
    %scan3A_2 = arith.constant 0 : i32
    %scan3A_3 = arith.constant 128 : i32
    %scan3A_4 = arith.addi %scan3A_2, %scan3A_3 : i32
    %scan3A_5 = arith.constant 1 : i32
    scf.for %scan3A_42 = %scan3A_2 to %scan3A_4 step %scan3A_5  : i32 {
      %swap3A = arith.index_cast %scan3A_42 : i32 to index
      %swap3A_43 = arith.constant 0 : index
      %swap3A_44 = tpu.vector_load %arg8[%swap3A, %swap3A_43] {strides = array<i32>} : memref<128x128xf32, #tpu.memory_space<vmem>>, vector<1x16xf32>,
      %swap3A_45 = vector.shape_cast %swap3A_44 : vector<1x16xf32> to vector<16xf32>
      %swap3A_46 = vector.shape_cast %broadcast_in_dim3A_1 : vector<16xf32> to vector<1x16xf32>
      tpu.vector_store %arg8[%swap3A, %swap3A_43], %swap3A_46 {strides = array<i32>} : memref<128x128xf32, #tpu.memory_space<vmem>>, vector<1x16xf32>,
      %swap3A_47 = arith.index_cast %scan3A_42 : i32 to index
      %swap3A_48 = arith.constant 16 : index
      %swap3A_49 = tpu.vector_load %arg8[%swap3A_47, %swap3A_48] {strides = array<i32>} : memref<128x128xf32, #tpu.memory_space<vmem>>, vector<1x16xf32>,
      %swap3A_50 = vector.shape_cast %swap3A_49 : vector<1x16xf32> to vector<16xf32>
      %swap3A_51 = vector.shape_cast %broadcast_in_dim3A_1 : vector<16xf32> to vector<1x16xf32>
      tpu.vector_store %arg8[%swap3A_47, %swap3A_48], %swap3A_51 {strides = array<i32>} : memref<128x128xf32, #tpu.memory_space<vmem>>, vector<1x16xf32>,
      %swap3A_52 = arith.index_cast %scan3A_42 : i32 to index
      %swap3A_53 = arith.constant 32 : index
      %swap3A_54 = tpu.vector_load %arg8[%swap3A_52, %swap3A_53] {strides = array<i32>} : memref<128x128xf32, #tpu.memory_space<vmem>>, vector<1x16xf32>,
      %swap3A_55 = vector.shape_cast %swap3A_54 : vector<1x16xf32> to vector<16xf32>
      %swap3A_56 = vector.shape_cast %broadcast_in_dim3A_1 : vector<16xf32> to vector<1x16xf32>
      tpu.vector_store %arg8[%swap3A_52, %swap3A_53], %swap3A_56 {strides = array<i32>} : memref<128x128xf32, #tpu.memory_space<vmem>>, vector<1x16xf32>,
      %swap3A_57 = arith.index_cast %scan3A_42 : i32 to index
      %swap3A_58 = arith.constant 48 : index
      %swap3A_59 = tpu.vector_load %arg8[%swap3A_57, %swap3A_58] {strides = array<i32>} : memref<128x128xf32, #tpu.memory_space<vmem>>, vector<1x16xf32>,
      %swap3A_60 = vector.shape_cast %swap3A_59 : vector<1x16xf32> to vector<16xf32>
      %swap3A_61 = vector.shape_cast %broadcast_in_dim3A_1 : vector<16xf32> to vector<1x16xf32>
      tpu.vector_store %arg8[%swap3A_57, %swap3A_58], %swap3A_61 {strides = array<i32>} : memref<128x128xf32, #tpu.memory_space<vmem>>, vector<1x16xf32>,
      %swap3A_62 = arith.index_cast %scan3A_42 : i32 to index
      %swap3A_63 = arith.constant 64 : index
      %swap3A_64 = tpu.vector_load %arg8[%swap3A_62, %swap3A_63] {strides = array<i32>} : memref<128x128xf32, #tpu.memory_space<vmem>>, vector<1x16xf32>,
      %swap3A_65 = vector.shape_cast %swap3A_64 : vector<1x16xf32> to vector<16xf32>
      %swap3A_66 = vector.shape_cast %broadcast_in_dim3A_1 : vector<16xf32> to vector<1x16xf32>
      tpu.vector_store %arg8[%swap3A_62, %swap3A_63], %swap3A_66 {strides = array<i32>} : memref<128x128xf32, #tpu.memory_space<vmem>>, vector<1x16xf32>,
      %swap3A_67 = arith.index_cast %scan3A_42 : i32 to index
      %swap3A_68 = arith.constant 80 : index
      %swap3A_69 = tpu.vector_load %arg8[%swap3A_67, %swap3A_68] {strides = array<i32>} : memref<128x128xf32, #tpu.memory_space<vmem>>, vector<1x16xf32>,
      %swap3A_70 = vector.shape_cast %swap3A_69 : vector<1x16xf32> to vector<16xf32>
      %swap3A_71 = vector.shape_cast %broadcast_in_dim3A_1 : vector<16xf32> to vector<1x16xf32>
      tpu.vector_store %arg8[%swap3A_67, %swap3A_68], %swap3A_71 {strides = array<i32>} : memref<128x128xf32, #tpu.memory_space<vmem>>, vector<1x16xf32>,
      %swap3A_72 = arith.index_cast %scan3A_42 : i32 to index
      %swap3A_73 = arith.constant 96 : index
      %swap3A_74 = tpu.vector_load %arg8[%swap3A_72, %swap3A_73] {strides = array<i32>} : memref<128x128xf32, #tpu.memory_space<vmem>>, vector<1x16xf32>,
      %swap3A_75 = vector.shape_cast %swap3A_74 : vector<1x16xf32> to vector<16xf32>
      %swap3A_76 = vector.shape_cast %broadcast_in_dim3A_1 : vector<16xf32> to vector<1x16xf32>
      tpu.vector_store %arg8[%swap3A_72, %swap3A_73], %swap3A_76 {strides = array<i32>} : memref<128x128xf32, #tpu.memory_space<vmem>>, vector<1x16xf32>,
      %swap3A_77 = arith.index_cast %scan3A_42 : i32 to index
      %swap3A_78 = arith.constant 112 : index
      %swap3A_79 = tpu.vector_load %arg8[%swap3A_77, %swap3A_78] {strides = array<i32>} : memref<128x128xf32, #tpu.memory_space<vmem>>, vector<1x16xf32>,
      %swap3A_80 = vector.shape_cast %swap3A_79 : vector<1x16xf32> to vector<16xf32>
      %swap3A_81 = vector.shape_cast %broadcast_in_dim3A_1 : vector<16xf32> to vector<1x16xf32>
      tpu.vector_store %arg8[%swap3A_77, %swap3A_78], %swap3A_81 {strides = array<i32>} : memref<128x128xf32, #tpu.memory_space<vmem>>, vector<1x16xf32>,
    }
    %scan3A_6 = arith.constant 128 : i32
    %mul3A_7 = arith.constant 640 : i32
    %mul3A_8 = arith.muli %arg1, %mul3A_7 : i32
    %add3A_9 = arith.constant 0 : i32
    %add3A_10 = arith.addi %mul3A_8, %add3A_9 : i32
    "tpu.region"() ({
      %run_scoped3A = tpu.sem_alloc : memref<!tpu.dma_semaphore, #tpu.memory_space<semaphore_mem>>
      %dma_start3A = arith.constant 0 : i32
      %dma_start3A_42 = tpu.memref_slice %arg9[%add3A_10, %dma_start3A] : memref<10240x128xf32, #tpu.memory_space<vmem_shared>> -> memref<128x128xf32, #tpu.memory_space<vmem_shared>>
      %dma_start3A_43 = arith.constant 0 : i32
      %dma_start3A_44 = tpu.memref_slice %arg9[%add3A_10, %dma_start3A_43] : memref<10240x128xf32, #tpu.memory_space<vmem_shared>> -> memref<128x128xf32, #tpu.memory_space<vmem_shared>>
      tpu.enqueue_dma source(%arg8 : memref<128x128xf32, #tpu.memory_space<vmem>>) target(%dma_start3A_44 : memref<128x128xf32, #tpu.memory_space<vmem_shared>>) target_semaphore(%run_scoped3A : memref<!tpu.dma_semaphore, #tpu.memory_space<semaphore_mem>>)
      %dma_wait3A = arith.constant 0 : i32
      %dma_wait3A_45 = tpu.memref_slice %arg9[%add3A_10, %dma_wait3A] : memref<10240x128xf32, #tpu.memory_space<vmem_shared>> -> memref<128x128xf32, #tpu.memory_space<vmem_shared>>
      %dma_wait3A_46 = arith.constant 0 : i32
      %dma_wait3A_47 = tpu.memref_slice %arg9[%add3A_10, %dma_wait3A_46] : memref<10240x128xf32, #tpu.memory_space<vmem_shared>> -> memref<128x128xf32, #tpu.memory_space<vmem_shared>>
      tpu.wait_dma2 semaphore(%run_scoped3A : memref<!tpu.dma_semaphore, #tpu.memory_space<semaphore_mem>>) src(%arg8 : memref<128x128xf32, #tpu.memory_space<vmem>>) dst(%dma_wait3A_47 : memref<128x128xf32, #tpu.memory_space<vmem_shared>>)
      tpu.yield
    }) : () -> ()
    %mul3A_11 = arith.constant 640 : i32
    %mul3A_12 = arith.muli %arg1, %mul3A_11 : i32
    %add3A_13 = arith.constant 128 : i32
    %add3A_14 = arith.addi %mul3A_12, %add3A_13 : i32
    "tpu.region"() ({
      %run_scoped3A = tpu.sem_alloc : memref<!tpu.dma_semaphore, #tpu.memory_space<semaphore_mem>>
      %dma_start3A = arith.constant 0 : i32
      %dma_start3A_42 = tpu.memref_slice %arg9[%add3A_14, %dma_start3A] : memref<10240x128xf32, #tpu.memory_space<vmem_shared>> -> memref<128x128xf32, #tpu.memory_space<vmem_shared>>
      %dma_start3A_43 = arith.constant 0 : i32
      %dma_start3A_44 = tpu.memref_slice %arg9[%add3A_14, %dma_start3A_43] : memref<10240x128xf32, #tpu.memory_space<vmem_shared>> -> memref<128x128xf32, #tpu.memory_space<vmem_shared>>
      tpu.enqueue_dma source(%arg8 : memref<128x128xf32, #tpu.memory_space<vmem>>) target(%dma_start3A_44 : memref<128x128xf32, #tpu.memory_space<vmem_shared>>) target_semaphore(%run_scoped3A : memref<!tpu.dma_semaphore, #tpu.memory_space<semaphore_mem>>)
      %dma_wait3A = arith.constant 0 : i32
      %dma_wait3A_45 = tpu.memref_slice %arg9[%add3A_14, %dma_wait3A] : memref<10240x128xf32, #tpu.memory_space<vmem_shared>> -> memref<128x128xf32, #tpu.memory_space<vmem_shared>>
      %dma_wait3A_46 = arith.constant 0 : i32
      %dma_wait3A_47 = tpu.memref_slice %arg9[%add3A_14, %dma_wait3A_46] : memref<10240x128xf32, #tpu.memory_space<vmem_shared>> -> memref<128x128xf32, #tpu.memory_space<vmem_shared>>
      tpu.wait_dma2 semaphore(%run_scoped3A : memref<!tpu.dma_semaphore, #tpu.memory_space<semaphore_mem>>) src(%arg8 : memref<128x128xf32, #tpu.memory_space<vmem>>) dst(%dma_wait3A_47 : memref<128x128xf32, #tpu.memory_space<vmem_shared>>)
      tpu.yield
    }) : () -> ()
    %mul3A_15 = arith.constant 640 : i32
    %mul3A_16 = arith.muli %arg1, %mul3A_15 : i32
    %add3A_17 = arith.constant 256 : i32
    %add3A_18 = arith.addi %mul3A_16, %add3A_17 : i32
    "tpu.region"() ({
      %run_scoped3A = tpu.sem_alloc : memref<!tpu.dma_semaphore, #tpu.memory_space<semaphore_mem>>
      %dma_start3A = arith.constant 0 : i32
      %dma_start3A_42 = tpu.memref_slice %arg9[%add3A_18, %dma_start3A] : memref<10240x128xf32, #tpu.memory_space<vmem_shared>> -> memref<128x128xf32, #tpu.memory_space<vmem_shared>>
      %dma_start3A_43 = arith.constant 0 : i32
      %dma_start3A_44 = tpu.memref_slice %arg9[%add3A_18, %dma_start3A_43] : memref<10240x128xf32, #tpu.memory_space<vmem_shared>> -> memref<128x128xf32, #tpu.memory_space<vmem_shared>>
      tpu.enqueue_dma source(%arg8 : memref<128x128xf32, #tpu.memory_space<vmem>>) target(%dma_start3A_44 : memref<128x128xf32, #tpu.memory_space<vmem_shared>>) target_semaphore(%run_scoped3A : memref<!tpu.dma_semaphore, #tpu.memory_space<semaphore_mem>>)
      %dma_wait3A = arith.constant 0 : i32
      %dma_wait3A_45 = tpu.memref_slice %arg9[%add3A_18, %dma_wait3A] : memref<10240x128xf32, #tpu.memory_space<vmem_shared>> -> memref<128x128xf32, #tpu.memory_space<vmem_shared>>
      %dma_wait3A_46 = arith.constant 0 : i32
      %dma_wait3A_47 = tpu.memref_slice %arg9[%add3A_18, %dma_wait3A_46] : memref<10240x128xf32, #tpu.memory_space<vmem_shared>> -> memref<128x128xf32, #tpu.memory_space<vmem_shared>>
      tpu.wait_dma2 semaphore(%run_scoped3A : memref<!tpu.dma_semaphore, #tpu.memory_space<semaphore_mem>>) src(%arg8 : memref<128x128xf32, #tpu.memory_space<vmem>>) dst(%dma_wait3A_47 : memref<128x128xf32, #tpu.memory_space<vmem_shared>>)
      tpu.yield
    }) : () -> ()
    %mul3A_19 = arith.constant 640 : i32
    %mul3A_20 = arith.muli %arg1, %mul3A_19 : i32
    %add3A_21 = arith.constant 384 : i32
    %add3A_22 = arith.addi %mul3A_20, %add3A_21 : i32
    "tpu.region"() ({
      %run_scoped3A = tpu.sem_alloc : memref<!tpu.dma_semaphore, #tpu.memory_space<semaphore_mem>>
      %dma_start3A = arith.constant 0 : i32
      %dma_start3A_42 = tpu.memref_slice %arg9[%add3A_22, %dma_start3A] : memref<10240x128xf32, #tpu.memory_space<vmem_shared>> -> memref<128x128xf32, #tpu.memory_space<vmem_shared>>
      %dma_start3A_43 = arith.constant 0 : i32
      %dma_start3A_44 = tpu.memref_slice %arg9[%add3A_22, %dma_start3A_43] : memref<10240x128xf32, #tpu.memory_space<vmem_shared>> -> memref<128x128xf32, #tpu.memory_space<vmem_shared>>
      tpu.enqueue_dma source(%arg8 : memref<128x128xf32, #tpu.memory_space<vmem>>) target(%dma_start3A_44 : memref<128x128xf32, #tpu.memory_space<vmem_shared>>) target_semaphore(%run_scoped3A : memref<!tpu.dma_semaphore, #tpu.memory_space<semaphore_mem>>)
      %dma_wait3A = arith.constant 0 : i32
      %dma_wait3A_45 = tpu.memref_slice %arg9[%add3A_22, %dma_wait3A] : memref<10240x128xf32, #tpu.memory_space<vmem_shared>> -> memref<128x128xf32, #tpu.memory_space<vmem_shared>>
      %dma_wait3A_46 = arith.constant 0 : i32
      %dma_wait3A_47 = tpu.memref_slice %arg9[%add3A_22, %dma_wait3A_46] : memref<10240x128xf32, #tpu.memory_space<vmem_shared>> -> memref<128x128xf32, #tpu.memory_space<vmem_shared>>
      tpu.wait_dma2 semaphore(%run_scoped3A : memref<!tpu.dma_semaphore, #tpu.memory_space<semaphore_mem>>) src(%arg8 : memref<128x128xf32, #tpu.memory_space<vmem>>) dst(%dma_wait3A_47 : memref<128x128xf32, #tpu.memory_space<vmem_shared>>)
      tpu.yield
    }) : () -> ()
    %mul3A_23 = arith.constant 640 : i32
    %mul3A_24 = arith.muli %arg1, %mul3A_23 : i32
    %add3A_25 = arith.constant 512 : i32
    %add3A_26 = arith.addi %mul3A_24, %add3A_25 : i32
    "tpu.region"() ({
      %run_scoped3A = tpu.sem_alloc : memref<!tpu.dma_semaphore, #tpu.memory_space<semaphore_mem>>
      %dma_start3A = arith.constant 0 : i32
      %dma_start3A_42 = tpu.memref_slice %arg9[%add3A_26, %dma_start3A] : memref<10240x128xf32, #tpu.memory_space<vmem_shared>> -> memref<128x128xf32, #tpu.memory_space<vmem_shared>>
      %dma_start3A_43 = arith.constant 0 : i32
      %dma_start3A_44 = tpu.memref_slice %arg9[%add3A_26, %dma_start3A_43] : memref<10240x128xf32, #tpu.memory_space<vmem_shared>> -> memref<128x128xf32, #tpu.memory_space<vmem_shared>>
      tpu.enqueue_dma source(%arg8 : memref<128x128xf32, #tpu.memory_space<vmem>>) target(%dma_start3A_44 : memref<128x128xf32, #tpu.memory_space<vmem_shared>>) target_semaphore(%run_scoped3A : memref<!tpu.dma_semaphore, #tpu.memory_space<semaphore_mem>>)
      %dma_wait3A = arith.constant 0 : i32
      %dma_wait3A_45 = tpu.memref_slice %arg9[%add3A_26, %dma_wait3A] : memref<10240x128xf32, #tpu.memory_space<vmem_shared>> -> memref<128x128xf32, #tpu.memory_space<vmem_shared>>
      %dma_wait3A_46 = arith.constant 0 : i32
      %dma_wait3A_47 = tpu.memref_slice %arg9[%add3A_26, %dma_wait3A_46] : memref<10240x128xf32, #tpu.memory_space<vmem_shared>> -> memref<128x128xf32, #tpu.memory_space<vmem_shared>>
      tpu.wait_dma2 semaphore(%run_scoped3A : memref<!tpu.dma_semaphore, #tpu.memory_space<semaphore_mem>>) src(%arg8 : memref<128x128xf32, #tpu.memory_space<vmem>>) dst(%dma_wait3A_47 : memref<128x128xf32, #tpu.memory_space<vmem_shared>>)
      tpu.yield
    }) : () -> ()
    %mul3A_27 = arith.constant 80 : i32
    %mul3A_28 = arith.muli %add3A, %mul3A_27 : i32
    "tpu.region"() ({
      %run_scoped3A = tpu.sem_alloc : memref<!tpu.dma_semaphore, #tpu.memory_space<semaphore_mem>>
      %dma_start3A = arith.constant 0 : i32
      %dma_start3A_42 = tpu.memref_slice %arg3[%mul3A_28, %dma_start3A] : memref<2560x128xi32, #tpu.memory_space<hbm>> -> memref<80x128xi32, #tpu.memory_space<hbm>>
      %dma_start3A_43 = arith.constant 0 : i32
      %dma_start3A_44 = tpu.memref_slice %arg3[%mul3A_28, %dma_start3A_43] : memref<2560x128xi32, #tpu.memory_space<hbm>> -> memref<80x128xi32, #tpu.memory_space<hbm>>
      tpu.enqueue_dma source(%dma_start3A_44 : memref<80x128xi32, #tpu.memory_space<hbm>>) target(%arg6 : memref<80x128xi32, #tpu.memory_space<vmem>>) target_semaphore(%run_scoped3A : memref<!tpu.dma_semaphore, #tpu.memory_space<semaphore_mem>>)
      %dma_wait3A = arith.constant 0 : i32
      %dma_wait3A_45 = tpu.memref_slice %arg3[%mul3A_28, %dma_wait3A] : memref<2560x128xi32, #tpu.memory_space<hbm>> -> memref<80x128xi32, #tpu.memory_space<hbm>>
      %dma_wait3A_46 = arith.constant 0 : i32
      %dma_wait3A_47 = tpu.memref_slice %arg3[%mul3A_28, %dma_wait3A_46] : memref<2560x128xi32, #tpu.memory_space<hbm>> -> memref<80x128xi32, #tpu.memory_space<hbm>>
      tpu.wait_dma2 semaphore(%run_scoped3A : memref<!tpu.dma_semaphore, #tpu.memory_space<semaphore_mem>>) src(%dma_wait3A_47 : memref<80x128xi32, #tpu.memory_space<hbm>>) dst(%arg6 : memref<80x128xi32, #tpu.memory_space<vmem>>)
      tpu.yield
    }) : () -> ()
    %mul3A_29 = arith.constant 80 : i32
    %mul3A_30 = arith.muli %add3A, %mul3A_29 : i32
    "tpu.region"() ({
      %run_scoped3A = tpu.sem_alloc : memref<!tpu.dma_semaphore, #tpu.memory_space<semaphore_mem>>
      %dma_start3A = arith.constant 0 : i32
      %dma_start3A_42 = tpu.memref_slice %arg4[%mul3A_30, %dma_start3A] : memref<2560x128xi32, #tpu.memory_space<hbm>> -> memref<80x128xi32, #tpu.memory_space<hbm>>
      %dma_start3A_43 = arith.constant 0 : i32
      %dma_start3A_44 = tpu.memref_slice %arg4[%mul3A_30, %dma_start3A_43] : memref<2560x128xi32, #tpu.memory_space<hbm>> -> memref<80x128xi32, #tpu.memory_space<hbm>>
      tpu.enqueue_dma source(%dma_start3A_44 : memref<80x128xi32, #tpu.memory_space<hbm>>) target(%arg7 : memref<80x128xi32, #tpu.memory_space<vmem>>) target_semaphore(%run_scoped3A : memref<!tpu.dma_semaphore, #tpu.memory_space<semaphore_mem>>)
      %dma_wait3A = arith.constant 0 : i32
      %dma_wait3A_45 = tpu.memref_slice %arg4[%mul3A_30, %dma_wait3A] : memref<2560x128xi32, #tpu.memory_space<hbm>> -> memref<80x128xi32, #tpu.memory_space<hbm>>
      %dma_wait3A_46 = arith.constant 0 : i32
      %dma_wait3A_47 = tpu.memref_slice %arg4[%mul3A_30, %dma_wait3A_46] : memref<2560x128xi32, #tpu.memory_space<hbm>> -> memref<80x128xi32, #tpu.memory_space<hbm>>
      tpu.wait_dma2 semaphore(%run_scoped3A : memref<!tpu.dma_semaphore, #tpu.memory_space<semaphore_mem>>) src(%dma_wait3A_47 : memref<80x128xi32, #tpu.memory_space<hbm>>) dst(%arg7 : memref<80x128xi32, #tpu.memory_space<vmem>>)
      tpu.yield
    }) : () -> ()
    %barrier3A = arith.constant 0 : index
    tpu.barrier barrier_id(%barrier3A)
    %scan3A_31 = arith.constant 0 : i32
    %scan3A_32 = arith.constant 0 : i32
    %scan3A_33 = arith.constant 80 : i32
    %scan3A_34 = arith.addi %scan3A_32, %scan3A_33 : i32
    %scan3A_35 = arith.constant 1 : i32
    scf.for %scan3A_42 = %scan3A_32 to %scan3A_34 step %scan3A_35  : i32 {
      %dma_start3A = arith.constant 0 : i32
      %dma_start3A_43 = tpu.memref_slice %arg6[%scan3A_42, %dma_start3A] : memref<80x128xi32, #tpu.memory_space<vmem>> -> memref<1x128xi32, #tpu.memory_space<vmem>>
      %dma_start3A_44 = tpu.memref_squeeze %dma_start3A_43 : memref<1x128xi32, #tpu.memory_space<vmem>> -> memref<128xi32, #tpu.memory_space<vmem>>
      %dma_start3A_45 = arith.constant 0 : i32
      %dma_start3A_46 = arith.constant 0 : i32
      %dma_start3A_47 = tpu.memref_slice %arg2[%dma_start3A_45, %dma_start3A_46] : memref<10240x128xf32, #tpu.memory_space<hbm>> -> memref<10240x128xf32, #tpu.memory_space<hbm>>
      tpu.enqueue_indirect_dma source(%dma_start3A_47 : memref<10240x128xf32, #tpu.memory_space<hbm>>) target(%arg8 : memref<128x128xf32, #tpu.memory_space<vmem>>) offsets(%dma_start3A_44 : memref<128xi32, #tpu.memory_space<vmem>>) semaphore(%arg10 : memref<!tpu.dma_semaphore, #tpu.memory_space<semaphore_mem>>)
      %dma_wait3A = arith.constant 0 : i32
      %dma_wait3A_48 = tpu.memref_slice %arg6[%scan3A_42, %dma_wait3A] : memref<80x128xi32, #tpu.memory_space<vmem>> -> memref<1x128xi32, #tpu.memory_space<vmem>>
      %dma_wait3A_49 = tpu.memref_squeeze %dma_wait3A_48 : memref<1x128xi32, #tpu.memory_space<vmem>> -> memref<128xi32, #tpu.memory_space<vmem>>
      %dma_wait3A_50 = arith.constant 0 : i32
      %dma_wait3A_51 = arith.constant 0 : i32
      %dma_wait3A_52 = tpu.memref_slice %arg2[%dma_wait3A_50, %dma_wait3A_51] : memref<10240x128xf32, #tpu.memory_space<hbm>> -> memref<10240x128xf32, #tpu.memory_space<hbm>>
      tpu.wait_indirect_dma semaphore(%arg10 : memref<!tpu.dma_semaphore, #tpu.memory_space<semaphore_mem>>) src(%dma_wait3A_52 : memref<10240x128xf32, #tpu.memory_space<hbm>>) dst(%arg8 : memref<128x128xf32, #tpu.memory_space<vmem>>)
      "tpu.region"() ({
        %run_scoped3A = tpu.sem_alloc : memref<!tpu.dma_semaphore, #tpu.memory_space<semaphore_mem>>
        %dma_start3A_53 = arith.constant 0 : i32
        %dma_start3A_54 = tpu.memref_slice %arg7[%scan3A_42, %dma_start3A_53] : memref<80x128xi32, #tpu.memory_space<vmem>> -> memref<1x128xi32, #tpu.memory_space<vmem>>
        %dma_start3A_55 = tpu.memref_squeeze %dma_start3A_54 : memref<1x128xi32, #tpu.memory_space<vmem>> -> memref<128xi32, #tpu.memory_space<vmem>>
        %dma_start3A_56 = arith.constant 0 : i32
        %dma_start3A_57 = arith.constant 0 : i32
        %dma_start3A_58 = tpu.memref_slice %arg9[%dma_start3A_56, %dma_start3A_57] : memref<10240x128xf32, #tpu.memory_space<vmem_shared>> -> memref<10240x128xf32, #tpu.memory_space<vmem_shared>>
        tpu.enqueue_indirect_dma source(%arg8 : memref<128x128xf32, #tpu.memory_space<vmem>>) target(%dma_start3A_58 : memref<10240x128xf32, #tpu.memory_space<vmem_shared>>) offsets(%dma_start3A_55 : memref<128xi32, #tpu.memory_space<vmem>>) semaphore(%run_scoped3A : memref<!tpu.dma_semaphore, #tpu.memory_space<semaphore_mem>>) {add = true}
        %dma_wait3A_59 = arith.constant 0 : i32
        %dma_wait3A_60 = tpu.memref_slice %arg7[%scan3A_42, %dma_wait3A_59] : memref<80x128xi32, #tpu.memory_space<vmem>> -> memref<1x128xi32, #tpu.memory_space<vmem>>
        %dma_wait3A_61 = tpu.memref_squeeze %dma_wait3A_60 : memref<1x128xi32, #tpu.memory_space<vmem>> -> memref<128xi32, #tpu.memory_space<vmem>>
        %dma_wait3A_62 = arith.constant 0 : i32
        %dma_wait3A_63 = arith.constant 0 : i32
        %dma_wait3A_64 = tpu.memref_slice %arg9[%dma_wait3A_62, %dma_wait3A_63] : memref<10240x128xf32, #tpu.memory_space<vmem_shared>> -> memref<10240x128xf32, #tpu.memory_space<vmem_shared>>
        tpu.wait_indirect_dma semaphore(%run_scoped3A : memref<!tpu.dma_semaphore, #tpu.memory_space<semaphore_mem>>) src(%arg8 : memref<128x128xf32, #tpu.memory_space<vmem>>) dst(%dma_wait3A_64 : memref<10240x128xf32, #tpu.memory_space<vmem_shared>>)
        tpu.yield
      }) : () -> ()
    }
    %scan3A_36 = arith.constant 80 : i32
    %barrier3A_37 = arith.constant 0 : index
    tpu.barrier barrier_id(%barrier3A_37)
    %mul3A_38 = arith.constant 640 : i32
    %mul3A_39 = arith.muli %arg1, %mul3A_38 : i32
    %mul3A_40 = arith.constant 640 : i32
    %mul3A_41 = arith.muli %arg1, %mul3A_40 : i32
    "tpu.region"() ({
      %run_scoped3A = tpu.sem_alloc : memref<!tpu.dma_semaphore, #tpu.memory_space<semaphore_mem>>
      %dma_start3A = arith.constant 0 : i32
      %dma_start3A_42 = tpu.memref_slice %arg5[%arg0, %mul3A_41, %dma_start3A] : memref<2x10240x128xf32, #tpu.memory_space<hbm>> -> memref<1x640x128xf32, #tpu.memory_space<hbm>>
      %dma_start3A_43 = tpu.memref_squeeze %dma_start3A_42 : memref<1x640x128xf32, #tpu.memory_space<hbm>> -> memref<640x128xf32, #tpu.memory_space<hbm>>
      %dma_start3A_44 = arith.constant 0 : i32
      %dma_start3A_45 = tpu.memref_slice %arg9[%mul3A_39, %dma_start3A_44] : memref<10240x128xf32, #tpu.memory_space<vmem_shared>> -> memref<640x128xf32, #tpu.memory_space<vmem_shared>>
      tpu.enqueue_dma source(%dma_start3A_45 : memref<640x128xf32, #tpu.memory_space<vmem_shared>>) target(%dma_start3A_43 : memref<640x128xf32, #tpu.memory_space<hbm>>) target_semaphore(%run_scoped3A : memref<!tpu.dma_semaphore, #tpu.memory_space<semaphore_mem>>)
      %dma_wait3A = arith.constant 0 : i32
      %dma_wait3A_46 = tpu.memref_slice %arg5[%arg0, %mul3A_41, %dma_wait3A] : memref<2x10240x128xf32, #tpu.memory_space<hbm>> -> memref<1x640x128xf32, #tpu.memory_space<hbm>>
      %dma_wait3A_47 = tpu.memref_squeeze %dma_wait3A_46 : memref<1x640x128xf32, #tpu.memory_space<hbm>> -> memref<640x128xf32, #tpu.memory_space<hbm>>
      %dma_wait3A_48 = arith.constant 0 : i32
      %dma_wait3A_49 = tpu.memref_slice %arg9[%mul3A_39, %dma_wait3A_48] : memref<10240x128xf32, #tpu.memory_space<vmem_shared>> -> memref<640x128xf32, #tpu.memory_space<vmem_shared>>
      tpu.wait_dma2 semaphore(%run_scoped3A : memref<!tpu.dma_semaphore, #tpu.memory_space<semaphore_mem>>) src(%dma_wait3A_49 : memref<640x128xf32, #tpu.memory_space<vmem_shared>>) dst(%dma_wait3A_47 : memref<640x128xf32, #tpu.memory_space<hbm>>)
      tpu.yield
    }) : () -> ()
    return
  }
}

#map = affine_map<(d0, d1) -> (0, 0)>
#map1 = affine_map<(d0, d1) -> (0, 0, 0)>
module attributes {stable_mosaic.version = 14 : i64} {
  func.func @_agg_kernel(%arg0: i32, %arg1: i32, %arg2: memref<10240x128xf32, #tpu.memory_space<hbm>>, %arg3: memref<2560x128xi32, #tpu.memory_space<hbm>>, %arg4: memref<2560x128xi32, #tpu.memory_space<hbm>>, %arg5: memref<2x10240x128xf32, #tpu.memory_space<hbm>>, %arg6: memref<80x128xi32, #tpu.memory_space<vmem>>, %arg7: memref<80x128xi32, #tpu.memory_space<vmem>>, %arg8: memref<128x128xf32, #tpu.memory_space<vmem>>, %arg9: memref<10240x128xf32, #tpu.memory_space<vmem_shared>>, %arg10: memref<!tpu.dma_semaphore, #tpu.memory_space<semaphore_mem>>) attributes {dimension_semantics = [#tpu.dimension_semantics<core_parallel>, #tpu.dimension_semantics<subcore_parallel>], iteration_bounds = array<i64: 2, 16>, scalar_prefetch = 0 : i64, scratch_operands = 5 : i64, tpu.core_type = #tpu.core_type<sc_vector_subcore>, window_params = [{transform_indices = #map}, {transform_indices = #map}, {transform_indices = #map}, {transform_indices = #map1}]} {
    %mul3A = arith.constant 16 : i32
    %mul3A_0 = arith.muli %arg0, %mul3A : i32
    %add3A = arith.addi %mul3A_0, %arg1 : i32
    %broadcast_in_dim3A = arith.constant 0.000000e+00 : f32
    %broadcast_in_dim3A_1 = vector.broadcast %broadcast_in_dim3A : f32 to vector<16xf32>
    %scan3A = arith.constant 0 : i32
    %scan3A_2 = arith.constant 0 : i32
    %scan3A_3 = arith.constant 128 : i32
    %scan3A_4 = arith.addi %scan3A_2, %scan3A_3 : i32
    %scan3A_5 = arith.constant 1 : i32
    scf.for %scan3A_42 = %scan3A_2 to %scan3A_4 step %scan3A_5  : i32 {
      %swap3A = arith.index_cast %scan3A_42 : i32 to index
      %swap3A_43 = arith.constant 0 : index
      %swap3A_44 = tpu.vector_load %arg8[%swap3A, %swap3A_43] {strides = array<i32>} : memref<128x128xf32, #tpu.memory_space<vmem>>, vector<1x16xf32>,
      %swap3A_45 = vector.shape_cast %swap3A_44 : vector<1x16xf32> to vector<16xf32>
      %swap3A_46 = vector.shape_cast %broadcast_in_dim3A_1 : vector<16xf32> to vector<1x16xf32>
      tpu.vector_store %arg8[%swap3A, %swap3A_43], %swap3A_46 {strides = array<i32>} : memref<128x128xf32, #tpu.memory_space<vmem>>, vector<1x16xf32>,
      %swap3A_47 = arith.index_cast %scan3A_42 : i32 to index
      %swap3A_48 = arith.constant 16 : index
      %swap3A_49 = tpu.vector_load %arg8[%swap3A_47, %swap3A_48] {strides = array<i32>} : memref<128x128xf32, #tpu.memory_space<vmem>>, vector<1x16xf32>,
      %swap3A_50 = vector.shape_cast %swap3A_49 : vector<1x16xf32> to vector<16xf32>
      %swap3A_51 = vector.shape_cast %broadcast_in_dim3A_1 : vector<16xf32> to vector<1x16xf32>
      tpu.vector_store %arg8[%swap3A_47, %swap3A_48], %swap3A_51 {strides = array<i32>} : memref<128x128xf32, #tpu.memory_space<vmem>>, vector<1x16xf32>,
      %swap3A_52 = arith.index_cast %scan3A_42 : i32 to index
      %swap3A_53 = arith.constant 32 : index
      %swap3A_54 = tpu.vector_load %arg8[%swap3A_52, %swap3A_53] {strides = array<i32>} : memref<128x128xf32, #tpu.memory_space<vmem>>, vector<1x16xf32>,
      %swap3A_55 = vector.shape_cast %swap3A_54 : vector<1x16xf32> to vector<16xf32>
      %swap3A_56 = vector.shape_cast %broadcast_in_dim3A_1 : vector<16xf32> to vector<1x16xf32>
      tpu.vector_store %arg8[%swap3A_52, %swap3A_53], %swap3A_56 {strides = array<i32>} : memref<128x128xf32, #tpu.memory_space<vmem>>, vector<1x16xf32>,
      %swap3A_57 = arith.index_cast %scan3A_42 : i32 to index
      %swap3A_58 = arith.constant 48 : index
      %swap3A_59 = tpu.vector_load %arg8[%swap3A_57, %swap3A_58] {strides = array<i32>} : memref<128x128xf32, #tpu.memory_space<vmem>>, vector<1x16xf32>,
      %swap3A_60 = vector.shape_cast %swap3A_59 : vector<1x16xf32> to vector<16xf32>
      %swap3A_61 = vector.shape_cast %broadcast_in_dim3A_1 : vector<16xf32> to vector<1x16xf32>
      tpu.vector_store %arg8[%swap3A_57, %swap3A_58], %swap3A_61 {strides = array<i32>} : memref<128x128xf32, #tpu.memory_space<vmem>>, vector<1x16xf32>,
      %swap3A_62 = arith.index_cast %scan3A_42 : i32 to index
      %swap3A_63 = arith.constant 64 : index
      %swap3A_64 = tpu.vector_load %arg8[%swap3A_62, %swap3A_63] {strides = array<i32>} : memref<128x128xf32, #tpu.memory_space<vmem>>, vector<1x16xf32>,
      %swap3A_65 = vector.shape_cast %swap3A_64 : vector<1x16xf32> to vector<16xf32>
      %swap3A_66 = vector.shape_cast %broadcast_in_dim3A_1 : vector<16xf32> to vector<1x16xf32>
      tpu.vector_store %arg8[%swap3A_62, %swap3A_63], %swap3A_66 {strides = array<i32>} : memref<128x128xf32, #tpu.memory_space<vmem>>, vector<1x16xf32>,
      %swap3A_67 = arith.index_cast %scan3A_42 : i32 to index
      %swap3A_68 = arith.constant 80 : index
      %swap3A_69 = tpu.vector_load %arg8[%swap3A_67, %swap3A_68] {strides = array<i32>} : memref<128x128xf32, #tpu.memory_space<vmem>>, vector<1x16xf32>,
      %swap3A_70 = vector.shape_cast %swap3A_69 : vector<1x16xf32> to vector<16xf32>
      %swap3A_71 = vector.shape_cast %broadcast_in_dim3A_1 : vector<16xf32> to vector<1x16xf32>
      tpu.vector_store %arg8[%swap3A_67, %swap3A_68], %swap3A_71 {strides = array<i32>} : memref<128x128xf32, #tpu.memory_space<vmem>>, vector<1x16xf32>,
      %swap3A_72 = arith.index_cast %scan3A_42 : i32 to index
      %swap3A_73 = arith.constant 96 : index
      %swap3A_74 = tpu.vector_load %arg8[%swap3A_72, %swap3A_73] {strides = array<i32>} : memref<128x128xf32, #tpu.memory_space<vmem>>, vector<1x16xf32>,
      %swap3A_75 = vector.shape_cast %swap3A_74 : vector<1x16xf32> to vector<16xf32>
      %swap3A_76 = vector.shape_cast %broadcast_in_dim3A_1 : vector<16xf32> to vector<1x16xf32>
      tpu.vector_store %arg8[%swap3A_72, %swap3A_73], %swap3A_76 {strides = array<i32>} : memref<128x128xf32, #tpu.memory_space<vmem>>, vector<1x16xf32>,
      %swap3A_77 = arith.index_cast %scan3A_42 : i32 to index
      %swap3A_78 = arith.constant 112 : index
      %swap3A_79 = tpu.vector_load %arg8[%swap3A_77, %swap3A_78] {strides = array<i32>} : memref<128x128xf32, #tpu.memory_space<vmem>>, vector<1x16xf32>,
      %swap3A_80 = vector.shape_cast %swap3A_79 : vector<1x16xf32> to vector<16xf32>
      %swap3A_81 = vector.shape_cast %broadcast_in_dim3A_1 : vector<16xf32> to vector<1x16xf32>
      tpu.vector_store %arg8[%swap3A_77, %swap3A_78], %swap3A_81 {strides = array<i32>} : memref<128x128xf32, #tpu.memory_space<vmem>>, vector<1x16xf32>,
    }
    %scan3A_6 = arith.constant 128 : i32
    %mul3A_7 = arith.constant 640 : i32
    %mul3A_8 = arith.muli %arg1, %mul3A_7 : i32
    %add3A_9 = arith.constant 0 : i32
    %add3A_10 = arith.addi %mul3A_8, %add3A_9 : i32
    "tpu.region"() ({
      %run_scoped3A = tpu.sem_alloc : memref<!tpu.dma_semaphore, #tpu.memory_space<semaphore_mem>>
      %dma_start3A = arith.constant 0 : i32
      %dma_start3A_42 = tpu.memref_slice %arg9[%add3A_10, %dma_start3A] : memref<10240x128xf32, #tpu.memory_space<vmem_shared>> -> memref<128x128xf32, #tpu.memory_space<vmem_shared>>
      %dma_start3A_43 = arith.constant 0 : i32
      %dma_start3A_44 = tpu.memref_slice %arg9[%add3A_10, %dma_start3A_43] : memref<10240x128xf32, #tpu.memory_space<vmem_shared>> -> memref<128x128xf32, #tpu.memory_space<vmem_shared>>
      tpu.enqueue_dma source(%arg8 : memref<128x128xf32, #tpu.memory_space<vmem>>) target(%dma_start3A_44 : memref<128x128xf32, #tpu.memory_space<vmem_shared>>) target_semaphore(%run_scoped3A : memref<!tpu.dma_semaphore, #tpu.memory_space<semaphore_mem>>)
      %dma_wait3A = arith.constant 0 : i32
      %dma_wait3A_45 = tpu.memref_slice %arg9[%add3A_10, %dma_wait3A] : memref<10240x128xf32, #tpu.memory_space<vmem_shared>> -> memref<128x128xf32, #tpu.memory_space<vmem_shared>>
      %dma_wait3A_46 = arith.constant 0 : i32
      %dma_wait3A_47 = tpu.memref_slice %arg9[%add3A_10, %dma_wait3A_46] : memref<10240x128xf32, #tpu.memory_space<vmem_shared>> -> memref<128x128xf32, #tpu.memory_space<vmem_shared>>
      tpu.wait_dma2 semaphore(%run_scoped3A : memref<!tpu.dma_semaphore, #tpu.memory_space<semaphore_mem>>) src(%arg8 : memref<128x128xf32, #tpu.memory_space<vmem>>) dst(%dma_wait3A_47 : memref<128x128xf32, #tpu.memory_space<vmem_shared>>)
      tpu.yield
    }) : () -> ()
    %mul3A_11 = arith.constant 640 : i32
    %mul3A_12 = arith.muli %arg1, %mul3A_11 : i32
    %add3A_13 = arith.constant 128 : i32
    %add3A_14 = arith.addi %mul3A_12, %add3A_13 : i32
    "tpu.region"() ({
      %run_scoped3A = tpu.sem_alloc : memref<!tpu.dma_semaphore, #tpu.memory_space<semaphore_mem>>
      %dma_start3A = arith.constant 0 : i32
      %dma_start3A_42 = tpu.memref_slice %arg9[%add3A_14, %dma_start3A] : memref<10240x128xf32, #tpu.memory_space<vmem_shared>> -> memref<128x128xf32, #tpu.memory_space<vmem_shared>>
      %dma_start3A_43 = arith.constant 0 : i32
      %dma_start3A_44 = tpu.memref_slice %arg9[%add3A_14, %dma_start3A_43] : memref<10240x128xf32, #tpu.memory_space<vmem_shared>> -> memref<128x128xf32, #tpu.memory_space<vmem_shared>>
      tpu.enqueue_dma source(%arg8 : memref<128x128xf32, #tpu.memory_space<vmem>>) target(%dma_start3A_44 : memref<128x128xf32, #tpu.memory_space<vmem_shared>>) target_semaphore(%run_scoped3A : memref<!tpu.dma_semaphore, #tpu.memory_space<semaphore_mem>>)
      %dma_wait3A = arith.constant 0 : i32
      %dma_wait3A_45 = tpu.memref_slice %arg9[%add3A_14, %dma_wait3A] : memref<10240x128xf32, #tpu.memory_space<vmem_shared>> -> memref<128x128xf32, #tpu.memory_space<vmem_shared>>
      %dma_wait3A_46 = arith.constant 0 : i32
      %dma_wait3A_47 = tpu.memref_slice %arg9[%add3A_14, %dma_wait3A_46] : memref<10240x128xf32, #tpu.memory_space<vmem_shared>> -> memref<128x128xf32, #tpu.memory_space<vmem_shared>>
      tpu.wait_dma2 semaphore(%run_scoped3A : memref<!tpu.dma_semaphore, #tpu.memory_space<semaphore_mem>>) src(%arg8 : memref<128x128xf32, #tpu.memory_space<vmem>>) dst(%dma_wait3A_47 : memref<128x128xf32, #tpu.memory_space<vmem_shared>>)
      tpu.yield
    }) : () -> ()
    %mul3A_15 = arith.constant 640 : i32
    %mul3A_16 = arith.muli %arg1, %mul3A_15 : i32
    %add3A_17 = arith.constant 256 : i32
    %add3A_18 = arith.addi %mul3A_16, %add3A_17 : i32
    "tpu.region"() ({
      %run_scoped3A = tpu.sem_alloc : memref<!tpu.dma_semaphore, #tpu.memory_space<semaphore_mem>>
      %dma_start3A = arith.constant 0 : i32
      %dma_start3A_42 = tpu.memref_slice %arg9[%add3A_18, %dma_start3A] : memref<10240x128xf32, #tpu.memory_space<vmem_shared>> -> memref<128x128xf32, #tpu.memory_space<vmem_shared>>
      %dma_start3A_43 = arith.constant 0 : i32
      %dma_start3A_44 = tpu.memref_slice %arg9[%add3A_18, %dma_start3A_43] : memref<10240x128xf32, #tpu.memory_space<vmem_shared>> -> memref<128x128xf32, #tpu.memory_space<vmem_shared>>
      tpu.enqueue_dma source(%arg8 : memref<128x128xf32, #tpu.memory_space<vmem>>) target(%dma_start3A_44 : memref<128x128xf32, #tpu.memory_space<vmem_shared>>) target_semaphore(%run_scoped3A : memref<!tpu.dma_semaphore, #tpu.memory_space<semaphore_mem>>)
      %dma_wait3A = arith.constant 0 : i32
      %dma_wait3A_45 = tpu.memref_slice %arg9[%add3A_18, %dma_wait3A] : memref<10240x128xf32, #tpu.memory_space<vmem_shared>> -> memref<128x128xf32, #tpu.memory_space<vmem_shared>>
      %dma_wait3A_46 = arith.constant 0 : i32
      %dma_wait3A_47 = tpu.memref_slice %arg9[%add3A_18, %dma_wait3A_46] : memref<10240x128xf32, #tpu.memory_space<vmem_shared>> -> memref<128x128xf32, #tpu.memory_space<vmem_shared>>
      tpu.wait_dma2 semaphore(%run_scoped3A : memref<!tpu.dma_semaphore, #tpu.memory_space<semaphore_mem>>) src(%arg8 : memref<128x128xf32, #tpu.memory_space<vmem>>) dst(%dma_wait3A_47 : memref<128x128xf32, #tpu.memory_space<vmem_shared>>)
      tpu.yield
    }) : () -> ()
    %mul3A_19 = arith.constant 640 : i32
    %mul3A_20 = arith.muli %arg1, %mul3A_19 : i32
    %add3A_21 = arith.constant 384 : i32
    %add3A_22 = arith.addi %mul3A_20, %add3A_21 : i32
    "tpu.region"() ({
      %run_scoped3A = tpu.sem_alloc : memref<!tpu.dma_semaphore, #tpu.memory_space<semaphore_mem>>
      %dma_start3A = arith.constant 0 : i32
      %dma_start3A_42 = tpu.memref_slice %arg9[%add3A_22, %dma_start3A] : memref<10240x128xf32, #tpu.memory_space<vmem_shared>> -> memref<128x128xf32, #tpu.memory_space<vmem_shared>>
      %dma_start3A_43 = arith.constant 0 : i32
      %dma_start3A_44 = tpu.memref_slice %arg9[%add3A_22, %dma_start3A_43] : memref<10240x128xf32, #tpu.memory_space<vmem_shared>> -> memref<128x128xf32, #tpu.memory_space<vmem_shared>>
      tpu.enqueue_dma source(%arg8 : memref<128x128xf32, #tpu.memory_space<vmem>>) target(%dma_start3A_44 : memref<128x128xf32, #tpu.memory_space<vmem_shared>>) target_semaphore(%run_scoped3A : memref<!tpu.dma_semaphore, #tpu.memory_space<semaphore_mem>>)
      %dma_wait3A = arith.constant 0 : i32
      %dma_wait3A_45 = tpu.memref_slice %arg9[%add3A_22, %dma_wait3A] : memref<10240x128xf32, #tpu.memory_space<vmem_shared>> -> memref<128x128xf32, #tpu.memory_space<vmem_shared>>
      %dma_wait3A_46 = arith.constant 0 : i32
      %dma_wait3A_47 = tpu.memref_slice %arg9[%add3A_22, %dma_wait3A_46] : memref<10240x128xf32, #tpu.memory_space<vmem_shared>> -> memref<128x128xf32, #tpu.memory_space<vmem_shared>>
      tpu.wait_dma2 semaphore(%run_scoped3A : memref<!tpu.dma_semaphore, #tpu.memory_space<semaphore_mem>>) src(%arg8 : memref<128x128xf32, #tpu.memory_space<vmem>>) dst(%dma_wait3A_47 : memref<128x128xf32, #tpu.memory_space<vmem_shared>>)
      tpu.yield
    }) : () -> ()
    %mul3A_23 = arith.constant 640 : i32
    %mul3A_24 = arith.muli %arg1, %mul3A_23 : i32
    %add3A_25 = arith.constant 512 : i32
    %add3A_26 = arith.addi %mul3A_24, %add3A_25 : i32
    "tpu.region"() ({
      %run_scoped3A = tpu.sem_alloc : memref<!tpu.dma_semaphore, #tpu.memory_space<semaphore_mem>>
      %dma_start3A = arith.constant 0 : i32
      %dma_start3A_42 = tpu.memref_slice %arg9[%add3A_26, %dma_start3A] : memref<10240x128xf32, #tpu.memory_space<vmem_shared>> -> memref<128x128xf32, #tpu.memory_space<vmem_shared>>
      %dma_start3A_43 = arith.constant 0 : i32
      %dma_start3A_44 = tpu.memref_slice %arg9[%add3A_26, %dma_start3A_43] : memref<10240x128xf32, #tpu.memory_space<vmem_shared>> -> memref<128x128xf32, #tpu.memory_space<vmem_shared>>
      tpu.enqueue_dma source(%arg8 : memref<128x128xf32, #tpu.memory_space<vmem>>) target(%dma_start3A_44 : memref<128x128xf32, #tpu.memory_space<vmem_shared>>) target_semaphore(%run_scoped3A : memref<!tpu.dma_semaphore, #tpu.memory_space<semaphore_mem>>)
      %dma_wait3A = arith.constant 0 : i32
      %dma_wait3A_45 = tpu.memref_slice %arg9[%add3A_26, %dma_wait3A] : memref<10240x128xf32, #tpu.memory_space<vmem_shared>> -> memref<128x128xf32, #tpu.memory_space<vmem_shared>>
      %dma_wait3A_46 = arith.constant 0 : i32
      %dma_wait3A_47 = tpu.memref_slice %arg9[%add3A_26, %dma_wait3A_46] : memref<10240x128xf32, #tpu.memory_space<vmem_shared>> -> memref<128x128xf32, #tpu.memory_space<vmem_shared>>
      tpu.wait_dma2 semaphore(%run_scoped3A : memref<!tpu.dma_semaphore, #tpu.memory_space<semaphore_mem>>) src(%arg8 : memref<128x128xf32, #tpu.memory_space<vmem>>) dst(%dma_wait3A_47 : memref<128x128xf32, #tpu.memory_space<vmem_shared>>)
      tpu.yield
    }) : () -> ()
    %mul3A_27 = arith.constant 80 : i32
    %mul3A_28 = arith.muli %add3A, %mul3A_27 : i32
    "tpu.region"() ({
      %run_scoped3A = tpu.sem_alloc : memref<!tpu.dma_semaphore, #tpu.memory_space<semaphore_mem>>
      %dma_start3A = arith.constant 0 : i32
      %dma_start3A_42 = tpu.memref_slice %arg3[%mul3A_28, %dma_start3A] : memref<2560x128xi32, #tpu.memory_space<hbm>> -> memref<80x128xi32, #tpu.memory_space<hbm>>
      %dma_start3A_43 = arith.constant 0 : i32
      %dma_start3A_44 = tpu.memref_slice %arg3[%mul3A_28, %dma_start3A_43] : memref<2560x128xi32, #tpu.memory_space<hbm>> -> memref<80x128xi32, #tpu.memory_space<hbm>>
      tpu.enqueue_dma source(%dma_start3A_44 : memref<80x128xi32, #tpu.memory_space<hbm>>) target(%arg6 : memref<80x128xi32, #tpu.memory_space<vmem>>) target_semaphore(%run_scoped3A : memref<!tpu.dma_semaphore, #tpu.memory_space<semaphore_mem>>)
      %dma_wait3A = arith.constant 0 : i32
      %dma_wait3A_45 = tpu.memref_slice %arg3[%mul3A_28, %dma_wait3A] : memref<2560x128xi32, #tpu.memory_space<hbm>> -> memref<80x128xi32, #tpu.memory_space<hbm>>
      %dma_wait3A_46 = arith.constant 0 : i32
      %dma_wait3A_47 = tpu.memref_slice %arg3[%mul3A_28, %dma_wait3A_46] : memref<2560x128xi32, #tpu.memory_space<hbm>> -> memref<80x128xi32, #tpu.memory_space<hbm>>
      tpu.wait_dma2 semaphore(%run_scoped3A : memref<!tpu.dma_semaphore, #tpu.memory_space<semaphore_mem>>) src(%dma_wait3A_47 : memref<80x128xi32, #tpu.memory_space<hbm>>) dst(%arg6 : memref<80x128xi32, #tpu.memory_space<vmem>>)
      tpu.yield
    }) : () -> ()
    %mul3A_29 = arith.constant 80 : i32
    %mul3A_30 = arith.muli %add3A, %mul3A_29 : i32
    "tpu.region"() ({
      %run_scoped3A = tpu.sem_alloc : memref<!tpu.dma_semaphore, #tpu.memory_space<semaphore_mem>>
      %dma_start3A = arith.constant 0 : i32
      %dma_start3A_42 = tpu.memref_slice %arg4[%mul3A_30, %dma_start3A] : memref<2560x128xi32, #tpu.memory_space<hbm>> -> memref<80x128xi32, #tpu.memory_space<hbm>>
      %dma_start3A_43 = arith.constant 0 : i32
      %dma_start3A_44 = tpu.memref_slice %arg4[%mul3A_30, %dma_start3A_43] : memref<2560x128xi32, #tpu.memory_space<hbm>> -> memref<80x128xi32, #tpu.memory_space<hbm>>
      tpu.enqueue_dma source(%dma_start3A_44 : memref<80x128xi32, #tpu.memory_space<hbm>>) target(%arg7 : memref<80x128xi32, #tpu.memory_space<vmem>>) target_semaphore(%run_scoped3A : memref<!tpu.dma_semaphore, #tpu.memory_space<semaphore_mem>>)
      %dma_wait3A = arith.constant 0 : i32
      %dma_wait3A_45 = tpu.memref_slice %arg4[%mul3A_30, %dma_wait3A] : memref<2560x128xi32, #tpu.memory_space<hbm>> -> memref<80x128xi32, #tpu.memory_space<hbm>>
      %dma_wait3A_46 = arith.constant 0 : i32
      %dma_wait3A_47 = tpu.memref_slice %arg4[%mul3A_30, %dma_wait3A_46] : memref<2560x128xi32, #tpu.memory_space<hbm>> -> memref<80x128xi32, #tpu.memory_space<hbm>>
      tpu.wait_dma2 semaphore(%run_scoped3A : memref<!tpu.dma_semaphore, #tpu.memory_space<semaphore_mem>>) src(%dma_wait3A_47 : memref<80x128xi32, #tpu.memory_space<hbm>>) dst(%arg7 : memref<80x128xi32, #tpu.memory_space<vmem>>)
      tpu.yield
    }) : () -> ()
    %barrier3A = arith.constant 0 : index
    tpu.barrier barrier_id(%barrier3A)
    %scan3A_31 = arith.constant 0 : i32
    %scan3A_32 = arith.constant 0 : i32
    %scan3A_33 = arith.constant 80 : i32
    %scan3A_34 = arith.addi %scan3A_32, %scan3A_33 : i32
    %scan3A_35 = arith.constant 1 : i32
    scf.for %scan3A_42 = %scan3A_32 to %scan3A_34 step %scan3A_35  : i32 {
      %dma_start3A = arith.constant 0 : i32
      %dma_start3A_43 = tpu.memref_slice %arg6[%scan3A_42, %dma_start3A] : memref<80x128xi32, #tpu.memory_space<vmem>> -> memref<1x128xi32, #tpu.memory_space<vmem>>
      %dma_start3A_44 = tpu.memref_squeeze %dma_start3A_43 : memref<1x128xi32, #tpu.memory_space<vmem>> -> memref<128xi32, #tpu.memory_space<vmem>>
      %dma_start3A_45 = arith.constant 0 : i32
      %dma_start3A_46 = arith.constant 0 : i32
      %dma_start3A_47 = tpu.memref_slice %arg2[%dma_start3A_45, %dma_start3A_46] : memref<10240x128xf32, #tpu.memory_space<hbm>> -> memref<10240x128xf32, #tpu.memory_space<hbm>>
      tpu.enqueue_indirect_dma source(%dma_start3A_47 : memref<10240x128xf32, #tpu.memory_space<hbm>>) target(%arg8 : memref<128x128xf32, #tpu.memory_space<vmem>>) offsets(%dma_start3A_44 : memref<128xi32, #tpu.memory_space<vmem>>) semaphore(%arg10 : memref<!tpu.dma_semaphore, #tpu.memory_space<semaphore_mem>>)
      %dma_wait3A = arith.constant 0 : i32
      %dma_wait3A_48 = tpu.memref_slice %arg6[%scan3A_42, %dma_wait3A] : memref<80x128xi32, #tpu.memory_space<vmem>> -> memref<1x128xi32, #tpu.memory_space<vmem>>
      %dma_wait3A_49 = tpu.memref_squeeze %dma_wait3A_48 : memref<1x128xi32, #tpu.memory_space<vmem>> -> memref<128xi32, #tpu.memory_space<vmem>>
      %dma_wait3A_50 = arith.constant 0 : i32
      %dma_wait3A_51 = arith.constant 0 : i32
      %dma_wait3A_52 = tpu.memref_slice %arg2[%dma_wait3A_50, %dma_wait3A_51] : memref<10240x128xf32, #tpu.memory_space<hbm>> -> memref<10240x128xf32, #tpu.memory_space<hbm>>
      tpu.wait_indirect_dma semaphore(%arg10 : memref<!tpu.dma_semaphore, #tpu.memory_space<semaphore_mem>>) src(%dma_wait3A_52 : memref<10240x128xf32, #tpu.memory_space<hbm>>) dst(%arg8 : memref<128x128xf32, #tpu.memory_space<vmem>>)
      "tpu.region"() ({
        %run_scoped3A = tpu.sem_alloc : memref<!tpu.dma_semaphore, #tpu.memory_space<semaphore_mem>>
        %dma_start3A_53 = arith.constant 0 : i32
        %dma_start3A_54 = tpu.memref_slice %arg7[%scan3A_42, %dma_start3A_53] : memref<80x128xi32, #tpu.memory_space<vmem>> -> memref<1x128xi32, #tpu.memory_space<vmem>>
        %dma_start3A_55 = tpu.memref_squeeze %dma_start3A_54 : memref<1x128xi32, #tpu.memory_space<vmem>> -> memref<128xi32, #tpu.memory_space<vmem>>
        %dma_start3A_56 = arith.constant 0 : i32
        %dma_start3A_57 = arith.constant 0 : i32
        %dma_start3A_58 = tpu.memref_slice %arg9[%dma_start3A_56, %dma_start3A_57] : memref<10240x128xf32, #tpu.memory_space<vmem_shared>> -> memref<10240x128xf32, #tpu.memory_space<vmem_shared>>
        tpu.enqueue_indirect_dma source(%arg8 : memref<128x128xf32, #tpu.memory_space<vmem>>) target(%dma_start3A_58 : memref<10240x128xf32, #tpu.memory_space<vmem_shared>>) offsets(%dma_start3A_55 : memref<128xi32, #tpu.memory_space<vmem>>) semaphore(%run_scoped3A : memref<!tpu.dma_semaphore, #tpu.memory_space<semaphore_mem>>) {add = true}
        %dma_wait3A_59 = arith.constant 0 : i32
        %dma_wait3A_60 = tpu.memref_slice %arg7[%scan3A_42, %dma_wait3A_59] : memref<80x128xi32, #tpu.memory_space<vmem>> -> memref<1x128xi32, #tpu.memory_space<vmem>>
        %dma_wait3A_61 = tpu.memref_squeeze %dma_wait3A_60 : memref<1x128xi32, #tpu.memory_space<vmem>> -> memref<128xi32, #tpu.memory_space<vmem>>
        %dma_wait3A_62 = arith.constant 0 : i32
        %dma_wait3A_63 = arith.constant 0 : i32
        %dma_wait3A_64 = tpu.memref_slice %arg9[%dma_wait3A_62, %dma_wait3A_63] : memref<10240x128xf32, #tpu.memory_space<vmem_shared>> -> memref<10240x128xf32, #tpu.memory_space<vmem_shared>>
        tpu.wait_indirect_dma semaphore(%run_scoped3A : memref<!tpu.dma_semaphore, #tpu.memory_space<semaphore_mem>>) src(%arg8 : memref<128x128xf32, #tpu.memory_space<vmem>>) dst(%dma_wait3A_64 : memref<10240x128xf32, #tpu.memory_space<vmem_shared>>)
        tpu.yield
      }) : () -> ()
    }
    %scan3A_36 = arith.constant 80 : i32
    %barrier3A_37 = arith.constant 0 : index
    tpu.barrier barrier_id(%barrier3A_37)
    %mul3A_38 = arith.constant 640 : i32
    %mul3A_39 = arith.muli %arg1, %mul3A_38 : i32
    %mul3A_40 = arith.constant 640 : i32
    %mul3A_41 = arith.muli %arg1, %mul3A_40 : i32
    "tpu.region"() ({
      %run_scoped3A = tpu.sem_alloc : memref<!tpu.dma_semaphore, #tpu.memory_space<semaphore_mem>>
      %dma_start3A = arith.constant 0 : i32
      %dma_start3A_42 = tpu.memref_slice %arg5[%arg0, %mul3A_41, %dma_start3A] : memref<2x10240x128xf32, #tpu.memory_space<hbm>> -> memref<1x640x128xf32, #tpu.memory_space<hbm>>
      %dma_start3A_43 = tpu.memref_squeeze %dma_start3A_42 : memref<1x640x128xf32, #tpu.memory_space<hbm>> -> memref<640x128xf32, #tpu.memory_space<hbm>>
      %dma_start3A_44 = arith.constant 0 : i32
      %dma_start3A_45 = tpu.memref_slice %arg9[%mul3A_39, %dma_start3A_44] : memref<10240x128xf32, #tpu.memory_space<vmem_shared>> -> memref<640x128xf32, #tpu.memory_space<vmem_shared>>
      tpu.enqueue_dma source(%dma_start3A_45 : memref<640x128xf32, #tpu.memory_space<vmem_shared>>) target(%dma_start3A_43 : memref<640x128xf32, #tpu.memory_space<hbm>>) target_semaphore(%run_scoped3A : memref<!tpu.dma_semaphore, #tpu.memory_space<semaphore_mem>>)
      %dma_wait3A = arith.constant 0 : i32
      %dma_wait3A_46 = tpu.memref_slice %arg5[%arg0, %mul3A_41, %dma_wait3A] : memref<2x10240x128xf32, #tpu.memory_space<hbm>> -> memref<1x640x128xf32, #tpu.memory_space<hbm>>
      %dma_wait3A_47 = tpu.memref_squeeze %dma_wait3A_46 : memref<1x640x128xf32, #tpu.memory_space<hbm>> -> memref<640x128xf32, #tpu.memory_space<hbm>>
      %dma_wait3A_48 = arith.constant 0 : i32
      %dma_wait3A_49 = tpu.memref_slice %arg9[%mul3A_39, %dma_wait3A_48] : memref<10240x128xf32, #tpu.memory_space<vmem_shared>> -> memref<640x128xf32, #tpu.memory_space<vmem_shared>>
      tpu.wait_dma2 semaphore(%run_scoped3A : memref<!tpu.dma_semaphore, #tpu.memory_space<semaphore_mem>>) src(%dma_wait3A_49 : memref<640x128xf32, #tpu.memory_space<vmem_shared>>) dst(%dma_wait3A_47 : memref<640x128xf32, #tpu.memory_space<hbm>>)
      tpu.yield
    }) : () -> ()
    return
  }
}

#map = affine_map<(d0, d1) -> (0, 0)>
#map1 = affine_map<(d0, d1) -> (0, 0, 0)>
module attributes {stable_mosaic.version = 14 : i64} {
  func.func @_deg_kernel(%arg0: i32, %arg1: i32, %arg2: memref<2560x128xi32, #tpu.memory_space<hbm>>, %arg3: memref<2x10240x128xf32, #tpu.memory_space<hbm>>, %arg4: memref<80x128xi32, #tpu.memory_space<vmem>>, %arg5: memref<128x128xf32, #tpu.memory_space<vmem>>, %arg6: memref<10240x128xf32, #tpu.memory_space<vmem_shared>>) attributes {dimension_semantics = [#tpu.dimension_semantics<core_parallel>, #tpu.dimension_semantics<subcore_parallel>], iteration_bounds = array<i64: 2, 16>, scalar_prefetch = 0 : i64, scratch_operands = 3 : i64, tpu.core_type = #tpu.core_type<sc_vector_subcore>, window_params = [{transform_indices = #map}, {transform_indices = #map1}]} {
    %mul3A = arith.constant 16 : i32
    %mul3A_0 = arith.muli %arg0, %mul3A : i32
    %add3A = arith.addi %mul3A_0, %arg1 : i32
    %broadcast_in_dim3A = arith.constant 1.000000e+00 : f32
    %broadcast_in_dim3A_1 = vector.broadcast %broadcast_in_dim3A : f32 to vector<16xf32>
    %broadcast_in_dim3A_2 = arith.constant 0.000000e+00 : f32
    %broadcast_in_dim3A_3 = vector.broadcast %broadcast_in_dim3A_2 : f32 to vector<16xf32>
    %scan3A = arith.constant 0 : i32
    %scan3A_4 = arith.constant 0 : i32
    %scan3A_5 = arith.constant 128 : i32
    %scan3A_6 = arith.addi %scan3A_4, %scan3A_5 : i32
    %scan3A_7 = arith.constant 1 : i32
    scf.for %scan3A_48 = %scan3A_4 to %scan3A_6 step %scan3A_7  : i32 {
      %swap3A = arith.index_cast %scan3A_48 : i32 to index
      %swap3A_49 = arith.constant 0 : index
      %swap3A_50 = tpu.vector_load %arg5[%swap3A, %swap3A_49] {strides = array<i32>} : memref<128x128xf32, #tpu.memory_space<vmem>>, vector<1x16xf32>,
      %swap3A_51 = vector.shape_cast %swap3A_50 : vector<1x16xf32> to vector<16xf32>
      %swap3A_52 = vector.shape_cast %broadcast_in_dim3A_3 : vector<16xf32> to vector<1x16xf32>
      tpu.vector_store %arg5[%swap3A, %swap3A_49], %swap3A_52 {strides = array<i32>} : memref<128x128xf32, #tpu.memory_space<vmem>>, vector<1x16xf32>,
      %swap3A_53 = arith.index_cast %scan3A_48 : i32 to index
      %swap3A_54 = arith.constant 16 : index
      %swap3A_55 = tpu.vector_load %arg5[%swap3A_53, %swap3A_54] {strides = array<i32>} : memref<128x128xf32, #tpu.memory_space<vmem>>, vector<1x16xf32>,
      %swap3A_56 = vector.shape_cast %swap3A_55 : vector<1x16xf32> to vector<16xf32>
      %swap3A_57 = vector.shape_cast %broadcast_in_dim3A_3 : vector<16xf32> to vector<1x16xf32>
      tpu.vector_store %arg5[%swap3A_53, %swap3A_54], %swap3A_57 {strides = array<i32>} : memref<128x128xf32, #tpu.memory_space<vmem>>, vector<1x16xf32>,
      %swap3A_58 = arith.index_cast %scan3A_48 : i32 to index
      %swap3A_59 = arith.constant 32 : index
      %swap3A_60 = tpu.vector_load %arg5[%swap3A_58, %swap3A_59] {strides = array<i32>} : memref<128x128xf32, #tpu.memory_space<vmem>>, vector<1x16xf32>,
      %swap3A_61 = vector.shape_cast %swap3A_60 : vector<1x16xf32> to vector<16xf32>
      %swap3A_62 = vector.shape_cast %broadcast_in_dim3A_3 : vector<16xf32> to vector<1x16xf32>
      tpu.vector_store %arg5[%swap3A_58, %swap3A_59], %swap3A_62 {strides = array<i32>} : memref<128x128xf32, #tpu.memory_space<vmem>>, vector<1x16xf32>,
      %swap3A_63 = arith.index_cast %scan3A_48 : i32 to index
      %swap3A_64 = arith.constant 48 : index
      %swap3A_65 = tpu.vector_load %arg5[%swap3A_63, %swap3A_64] {strides = array<i32>} : memref<128x128xf32, #tpu.memory_space<vmem>>, vector<1x16xf32>,
      %swap3A_66 = vector.shape_cast %swap3A_65 : vector<1x16xf32> to vector<16xf32>
      %swap3A_67 = vector.shape_cast %broadcast_in_dim3A_3 : vector<16xf32> to vector<1x16xf32>
      tpu.vector_store %arg5[%swap3A_63, %swap3A_64], %swap3A_67 {strides = array<i32>} : memref<128x128xf32, #tpu.memory_space<vmem>>, vector<1x16xf32>,
      %swap3A_68 = arith.index_cast %scan3A_48 : i32 to index
      %swap3A_69 = arith.constant 64 : index
      %swap3A_70 = tpu.vector_load %arg5[%swap3A_68, %swap3A_69] {strides = array<i32>} : memref<128x128xf32, #tpu.memory_space<vmem>>, vector<1x16xf32>,
      %swap3A_71 = vector.shape_cast %swap3A_70 : vector<1x16xf32> to vector<16xf32>
      %swap3A_72 = vector.shape_cast %broadcast_in_dim3A_3 : vector<16xf32> to vector<1x16xf32>
      tpu.vector_store %arg5[%swap3A_68, %swap3A_69], %swap3A_72 {strides = array<i32>} : memref<128x128xf32, #tpu.memory_space<vmem>>, vector<1x16xf32>,
      %swap3A_73 = arith.index_cast %scan3A_48 : i32 to index
      %swap3A_74 = arith.constant 80 : index
      %swap3A_75 = tpu.vector_load %arg5[%swap3A_73, %swap3A_74] {strides = array<i32>} : memref<128x128xf32, #tpu.memory_space<vmem>>, vector<1x16xf32>,
      %swap3A_76 = vector.shape_cast %swap3A_75 : vector<1x16xf32> to vector<16xf32>
      %swap3A_77 = vector.shape_cast %broadcast_in_dim3A_3 : vector<16xf32> to vector<1x16xf32>
      tpu.vector_store %arg5[%swap3A_73, %swap3A_74], %swap3A_77 {strides = array<i32>} : memref<128x128xf32, #tpu.memory_space<vmem>>, vector<1x16xf32>,
      %swap3A_78 = arith.index_cast %scan3A_48 : i32 to index
      %swap3A_79 = arith.constant 96 : index
      %swap3A_80 = tpu.vector_load %arg5[%swap3A_78, %swap3A_79] {strides = array<i32>} : memref<128x128xf32, #tpu.memory_space<vmem>>, vector<1x16xf32>,
      %swap3A_81 = vector.shape_cast %swap3A_80 : vector<1x16xf32> to vector<16xf32>
      %swap3A_82 = vector.shape_cast %broadcast_in_dim3A_3 : vector<16xf32> to vector<1x16xf32>
      tpu.vector_store %arg5[%swap3A_78, %swap3A_79], %swap3A_82 {strides = array<i32>} : memref<128x128xf32, #tpu.memory_space<vmem>>, vector<1x16xf32>,
      %swap3A_83 = arith.index_cast %scan3A_48 : i32 to index
      %swap3A_84 = arith.constant 112 : index
      %swap3A_85 = tpu.vector_load %arg5[%swap3A_83, %swap3A_84] {strides = array<i32>} : memref<128x128xf32, #tpu.memory_space<vmem>>, vector<1x16xf32>,
      %swap3A_86 = vector.shape_cast %swap3A_85 : vector<1x16xf32> to vector<16xf32>
      %swap3A_87 = vector.shape_cast %broadcast_in_dim3A_3 : vector<16xf32> to vector<1x16xf32>
      tpu.vector_store %arg5[%swap3A_83, %swap3A_84], %swap3A_87 {strides = array<i32>} : memref<128x128xf32, #tpu.memory_space<vmem>>, vector<1x16xf32>,
    }
    %scan3A_8 = arith.constant 128 : i32
    %mul3A_9 = arith.constant 640 : i32
    %mul3A_10 = arith.muli %arg1, %mul3A_9 : i32
    %add3A_11 = arith.constant 0 : i32
    %add3A_12 = arith.addi %mul3A_10, %add3A_11 : i32
    "tpu.region"() ({
      %run_scoped3A = tpu.sem_alloc : memref<!tpu.dma_semaphore, #tpu.memory_space<semaphore_mem>>
      %dma_start3A = arith.constant 0 : i32
      %dma_start3A_48 = tpu.memref_slice %arg6[%add3A_12, %dma_start3A] : memref<10240x128xf32, #tpu.memory_space<vmem_shared>> -> memref<128x128xf32, #tpu.memory_space<vmem_shared>>
      %dma_start3A_49 = arith.constant 0 : i32
      %dma_start3A_50 = tpu.memref_slice %arg6[%add3A_12, %dma_start3A_49] : memref<10240x128xf32, #tpu.memory_space<vmem_shared>> -> memref<128x128xf32, #tpu.memory_space<vmem_shared>>
      tpu.enqueue_dma source(%arg5 : memref<128x128xf32, #tpu.memory_space<vmem>>) target(%dma_start3A_50 : memref<128x128xf32, #tpu.memory_space<vmem_shared>>) target_semaphore(%run_scoped3A : memref<!tpu.dma_semaphore, #tpu.memory_space<semaphore_mem>>)
      %dma_wait3A = arith.constant 0 : i32
      %dma_wait3A_51 = tpu.memref_slice %arg6[%add3A_12, %dma_wait3A] : memref<10240x128xf32, #tpu.memory_space<vmem_shared>> -> memref<128x128xf32, #tpu.memory_space<vmem_shared>>
      %dma_wait3A_52 = arith.constant 0 : i32
      %dma_wait3A_53 = tpu.memref_slice %arg6[%add3A_12, %dma_wait3A_52] : memref<10240x128xf32, #tpu.memory_space<vmem_shared>> -> memref<128x128xf32, #tpu.memory_space<vmem_shared>>
      tpu.wait_dma2 semaphore(%run_scoped3A : memref<!tpu.dma_semaphore, #tpu.memory_space<semaphore_mem>>) src(%arg5 : memref<128x128xf32, #tpu.memory_space<vmem>>) dst(%dma_wait3A_53 : memref<128x128xf32, #tpu.memory_space<vmem_shared>>)
      tpu.yield
    }) : () -> ()
    %mul3A_13 = arith.constant 640 : i32
    %mul3A_14 = arith.muli %arg1, %mul3A_13 : i32
    %add3A_15 = arith.constant 128 : i32
    %add3A_16 = arith.addi %mul3A_14, %add3A_15 : i32
    "tpu.region"() ({
      %run_scoped3A = tpu.sem_alloc : memref<!tpu.dma_semaphore, #tpu.memory_space<semaphore_mem>>
      %dma_start3A = arith.constant 0 : i32
      %dma_start3A_48 = tpu.memref_slice %arg6[%add3A_16, %dma_start3A] : memref<10240x128xf32, #tpu.memory_space<vmem_shared>> -> memref<128x128xf32, #tpu.memory_space<vmem_shared>>
      %dma_start3A_49 = arith.constant 0 : i32
      %dma_start3A_50 = tpu.memref_slice %arg6[%add3A_16, %dma_start3A_49] : memref<10240x128xf32, #tpu.memory_space<vmem_shared>> -> memref<128x128xf32, #tpu.memory_space<vmem_shared>>
      tpu.enqueue_dma source(%arg5 : memref<128x128xf32, #tpu.memory_space<vmem>>) target(%dma_start3A_50 : memref<128x128xf32, #tpu.memory_space<vmem_shared>>) target_semaphore(%run_scoped3A : memref<!tpu.dma_semaphore, #tpu.memory_space<semaphore_mem>>)
      %dma_wait3A = arith.constant 0 : i32
      %dma_wait3A_51 = tpu.memref_slice %arg6[%add3A_16, %dma_wait3A] : memref<10240x128xf32, #tpu.memory_space<vmem_shared>> -> memref<128x128xf32, #tpu.memory_space<vmem_shared>>
      %dma_wait3A_52 = arith.constant 0 : i32
      %dma_wait3A_53 = tpu.memref_slice %arg6[%add3A_16, %dma_wait3A_52] : memref<10240x128xf32, #tpu.memory_space<vmem_shared>> -> memref<128x128xf32, #tpu.memory_space<vmem_shared>>
      tpu.wait_dma2 semaphore(%run_scoped3A : memref<!tpu.dma_semaphore, #tpu.memory_space<semaphore_mem>>) src(%arg5 : memref<128x128xf32, #tpu.memory_space<vmem>>) dst(%dma_wait3A_53 : memref<128x128xf32, #tpu.memory_space<vmem_shared>>)
      tpu.yield
    }) : () -> ()
    %mul3A_17 = arith.constant 640 : i32
    %mul3A_18 = arith.muli %arg1, %mul3A_17 : i32
    %add3A_19 = arith.constant 256 : i32
    %add3A_20 = arith.addi %mul3A_18, %add3A_19 : i32
    "tpu.region"() ({
      %run_scoped3A = tpu.sem_alloc : memref<!tpu.dma_semaphore, #tpu.memory_space<semaphore_mem>>
      %dma_start3A = arith.constant 0 : i32
      %dma_start3A_48 = tpu.memref_slice %arg6[%add3A_20, %dma_start3A] : memref<10240x128xf32, #tpu.memory_space<vmem_shared>> -> memref<128x128xf32, #tpu.memory_space<vmem_shared>>
      %dma_start3A_49 = arith.constant 0 : i32
      %dma_start3A_50 = tpu.memref_slice %arg6[%add3A_20, %dma_start3A_49] : memref<10240x128xf32, #tpu.memory_space<vmem_shared>> -> memref<128x128xf32, #tpu.memory_space<vmem_shared>>
      tpu.enqueue_dma source(%arg5 : memref<128x128xf32, #tpu.memory_space<vmem>>) target(%dma_start3A_50 : memref<128x128xf32, #tpu.memory_space<vmem_shared>>) target_semaphore(%run_scoped3A : memref<!tpu.dma_semaphore, #tpu.memory_space<semaphore_mem>>)
      %dma_wait3A = arith.constant 0 : i32
      %dma_wait3A_51 = tpu.memref_slice %arg6[%add3A_20, %dma_wait3A] : memref<10240x128xf32, #tpu.memory_space<vmem_shared>> -> memref<128x128xf32, #tpu.memory_space<vmem_shared>>
      %dma_wait3A_52 = arith.constant 0 : i32
      %dma_wait3A_53 = tpu.memref_slice %arg6[%add3A_20, %dma_wait3A_52] : memref<10240x128xf32, #tpu.memory_space<vmem_shared>> -> memref<128x128xf32, #tpu.memory_space<vmem_shared>>
      tpu.wait_dma2 semaphore(%run_scoped3A : memref<!tpu.dma_semaphore, #tpu.memory_space<semaphore_mem>>) src(%arg5 : memref<128x128xf32, #tpu.memory_space<vmem>>) dst(%dma_wait3A_53 : memref<128x128xf32, #tpu.memory_space<vmem_shared>>)
      tpu.yield
    }) : () -> ()
    %mul3A_21 = arith.constant 640 : i32
    %mul3A_22 = arith.muli %arg1, %mul3A_21 : i32
    %add3A_23 = arith.constant 384 : i32
    %add3A_24 = arith.addi %mul3A_22, %add3A_23 : i32
    "tpu.region"() ({
      %run_scoped3A = tpu.sem_alloc : memref<!tpu.dma_semaphore, #tpu.memory_space<semaphore_mem>>
      %dma_start3A = arith.constant 0 : i32
      %dma_start3A_48 = tpu.memref_slice %arg6[%add3A_24, %dma_start3A] : memref<10240x128xf32, #tpu.memory_space<vmem_shared>> -> memref<128x128xf32, #tpu.memory_space<vmem_shared>>
      %dma_start3A_49 = arith.constant 0 : i32
      %dma_start3A_50 = tpu.memref_slice %arg6[%add3A_24, %dma_start3A_49] : memref<10240x128xf32, #tpu.memory_space<vmem_shared>> -> memref<128x128xf32, #tpu.memory_space<vmem_shared>>
      tpu.enqueue_dma source(%arg5 : memref<128x128xf32, #tpu.memory_space<vmem>>) target(%dma_start3A_50 : memref<128x128xf32, #tpu.memory_space<vmem_shared>>) target_semaphore(%run_scoped3A : memref<!tpu.dma_semaphore, #tpu.memory_space<semaphore_mem>>)
      %dma_wait3A = arith.constant 0 : i32
      %dma_wait3A_51 = tpu.memref_slice %arg6[%add3A_24, %dma_wait3A] : memref<10240x128xf32, #tpu.memory_space<vmem_shared>> -> memref<128x128xf32, #tpu.memory_space<vmem_shared>>
      %dma_wait3A_52 = arith.constant 0 : i32
      %dma_wait3A_53 = tpu.memref_slice %arg6[%add3A_24, %dma_wait3A_52] : memref<10240x128xf32, #tpu.memory_space<vmem_shared>> -> memref<128x128xf32, #tpu.memory_space<vmem_shared>>
      tpu.wait_dma2 semaphore(%run_scoped3A : memref<!tpu.dma_semaphore, #tpu.memory_space<semaphore_mem>>) src(%arg5 : memref<128x128xf32, #tpu.memory_space<vmem>>) dst(%dma_wait3A_53 : memref<128x128xf32, #tpu.memory_space<vmem_shared>>)
      tpu.yield
    }) : () -> ()
    %mul3A_25 = arith.constant 640 : i32
    %mul3A_26 = arith.muli %arg1, %mul3A_25 : i32
    %add3A_27 = arith.constant 512 : i32
    %add3A_28 = arith.addi %mul3A_26, %add3A_27 : i32
    "tpu.region"() ({
      %run_scoped3A = tpu.sem_alloc : memref<!tpu.dma_semaphore, #tpu.memory_space<semaphore_mem>>
      %dma_start3A = arith.constant 0 : i32
      %dma_start3A_48 = tpu.memref_slice %arg6[%add3A_28, %dma_start3A] : memref<10240x128xf32, #tpu.memory_space<vmem_shared>> -> memref<128x128xf32, #tpu.memory_space<vmem_shared>>
      %dma_start3A_49 = arith.constant 0 : i32
      %dma_start3A_50 = tpu.memref_slice %arg6[%add3A_28, %dma_start3A_49] : memref<10240x128xf32, #tpu.memory_space<vmem_shared>> -> memref<128x128xf32, #tpu.memory_space<vmem_shared>>
      tpu.enqueue_dma source(%arg5 : memref<128x128xf32, #tpu.memory_space<vmem>>) target(%dma_start3A_50 : memref<128x128xf32, #tpu.memory_space<vmem_shared>>) target_semaphore(%run_scoped3A : memref<!tpu.dma_semaphore, #tpu.memory_space<semaphore_mem>>)
      %dma_wait3A = arith.constant 0 : i32
      %dma_wait3A_51 = tpu.memref_slice %arg6[%add3A_28, %dma_wait3A] : memref<10240x128xf32, #tpu.memory_space<vmem_shared>> -> memref<128x128xf32, #tpu.memory_space<vmem_shared>>
      %dma_wait3A_52 = arith.constant 0 : i32
      %dma_wait3A_53 = tpu.memref_slice %arg6[%add3A_28, %dma_wait3A_52] : memref<10240x128xf32, #tpu.memory_space<vmem_shared>> -> memref<128x128xf32, #tpu.memory_space<vmem_shared>>
      tpu.wait_dma2 semaphore(%run_scoped3A : memref<!tpu.dma_semaphore, #tpu.memory_space<semaphore_mem>>) src(%arg5 : memref<128x128xf32, #tpu.memory_space<vmem>>) dst(%dma_wait3A_53 : memref<128x128xf32, #tpu.memory_space<vmem_shared>>)
      tpu.yield
    }) : () -> ()
    %mul3A_29 = arith.constant 80 : i32
    %mul3A_30 = arith.muli %add3A, %mul3A_29 : i32
    "tpu.region"() ({
      %run_scoped3A = tpu.sem_alloc : memref<!tpu.dma_semaphore, #tpu.memory_space<semaphore_mem>>
      %dma_start3A = arith.constant 0 : i32
      %dma_start3A_48 = tpu.memref_slice %arg2[%mul3A_30, %dma_start3A] : memref<2560x128xi32, #tpu.memory_space<hbm>> -> memref<80x128xi32, #tpu.memory_space<hbm>>
      %dma_start3A_49 = arith.constant 0 : i32
      %dma_start3A_50 = tpu.memref_slice %arg2[%mul3A_30, %dma_start3A_49] : memref<2560x128xi32, #tpu.memory_space<hbm>> -> memref<80x128xi32, #tpu.memory_space<hbm>>
      tpu.enqueue_dma source(%dma_start3A_50 : memref<80x128xi32, #tpu.memory_space<hbm>>) target(%arg4 : memref<80x128xi32, #tpu.memory_space<vmem>>) target_semaphore(%run_scoped3A : memref<!tpu.dma_semaphore, #tpu.memory_space<semaphore_mem>>)
      %dma_wait3A = arith.constant 0 : i32
      %dma_wait3A_51 = tpu.memref_slice %arg2[%mul3A_30, %dma_wait3A] : memref<2560x128xi32, #tpu.memory_space<hbm>> -> memref<80x128xi32, #tpu.memory_space<hbm>>
      %dma_wait3A_52 = arith.constant 0 : i32
      %dma_wait3A_53 = tpu.memref_slice %arg2[%mul3A_30, %dma_wait3A_52] : memref<2560x128xi32, #tpu.memory_space<hbm>> -> memref<80x128xi32, #tpu.memory_space<hbm>>
      tpu.wait_dma2 semaphore(%run_scoped3A : memref<!tpu.dma_semaphore, #tpu.memory_space<semaphore_mem>>) src(%dma_wait3A_53 : memref<80x128xi32, #tpu.memory_space<hbm>>) dst(%arg4 : memref<80x128xi32, #tpu.memory_space<vmem>>)
      tpu.yield
    }) : () -> ()
    %scan3A_31 = arith.constant 0 : i32
    %scan3A_32 = arith.constant 0 : i32
    %scan3A_33 = arith.constant 128 : i32
    %scan3A_34 = arith.addi %scan3A_32, %scan3A_33 : i32
    %scan3A_35 = arith.constant 1 : i32
    scf.for %scan3A_48 = %scan3A_32 to %scan3A_34 step %scan3A_35  : i32 {
      %swap3A = arith.index_cast %scan3A_48 : i32 to index
      %swap3A_49 = arith.constant 0 : index
      %swap3A_50 = tpu.vector_load %arg5[%swap3A, %swap3A_49] {strides = array<i32>} : memref<128x128xf32, #tpu.memory_space<vmem>>, vector<1x16xf32>,
      %swap3A_51 = vector.shape_cast %swap3A_50 : vector<1x16xf32> to vector<16xf32>
      %swap3A_52 = vector.shape_cast %broadcast_in_dim3A_1 : vector<16xf32> to vector<1x16xf32>
      tpu.vector_store %arg5[%swap3A, %swap3A_49], %swap3A_52 {strides = array<i32>} : memref<128x128xf32, #tpu.memory_space<vmem>>, vector<1x16xf32>,
      %swap3A_53 = arith.index_cast %scan3A_48 : i32 to index
      %swap3A_54 = arith.constant 16 : index
      %swap3A_55 = tpu.vector_load %arg5[%swap3A_53, %swap3A_54] {strides = array<i32>} : memref<128x128xf32, #tpu.memory_space<vmem>>, vector<1x16xf32>,
      %swap3A_56 = vector.shape_cast %swap3A_55 : vector<1x16xf32> to vector<16xf32>
      %swap3A_57 = vector.shape_cast %broadcast_in_dim3A_1 : vector<16xf32> to vector<1x16xf32>
      tpu.vector_store %arg5[%swap3A_53, %swap3A_54], %swap3A_57 {strides = array<i32>} : memref<128x128xf32, #tpu.memory_space<vmem>>, vector<1x16xf32>,
      %swap3A_58 = arith.index_cast %scan3A_48 : i32 to index
      %swap3A_59 = arith.constant 32 : index
      %swap3A_60 = tpu.vector_load %arg5[%swap3A_58, %swap3A_59] {strides = array<i32>} : memref<128x128xf32, #tpu.memory_space<vmem>>, vector<1x16xf32>,
      %swap3A_61 = vector.shape_cast %swap3A_60 : vector<1x16xf32> to vector<16xf32>
      %swap3A_62 = vector.shape_cast %broadcast_in_dim3A_1 : vector<16xf32> to vector<1x16xf32>
      tpu.vector_store %arg5[%swap3A_58, %swap3A_59], %swap3A_62 {strides = array<i32>} : memref<128x128xf32, #tpu.memory_space<vmem>>, vector<1x16xf32>,
      %swap3A_63 = arith.index_cast %scan3A_48 : i32 to index
      %swap3A_64 = arith.constant 48 : index
      %swap3A_65 = tpu.vector_load %arg5[%swap3A_63, %swap3A_64] {strides = array<i32>} : memref<128x128xf32, #tpu.memory_space<vmem>>, vector<1x16xf32>,
      %swap3A_66 = vector.shape_cast %swap3A_65 : vector<1x16xf32> to vector<16xf32>
      %swap3A_67 = vector.shape_cast %broadcast_in_dim3A_1 : vector<16xf32> to vector<1x16xf32>
      tpu.vector_store %arg5[%swap3A_63, %swap3A_64], %swap3A_67 {strides = array<i32>} : memref<128x128xf32, #tpu.memory_space<vmem>>, vector<1x16xf32>,
      %swap3A_68 = arith.index_cast %scan3A_48 : i32 to index
      %swap3A_69 = arith.constant 64 : index
      %swap3A_70 = tpu.vector_load %arg5[%swap3A_68, %swap3A_69] {strides = array<i32>} : memref<128x128xf32, #tpu.memory_space<vmem>>, vector<1x16xf32>,
      %swap3A_71 = vector.shape_cast %swap3A_70 : vector<1x16xf32> to vector<16xf32>
      %swap3A_72 = vector.shape_cast %broadcast_in_dim3A_1 : vector<16xf32> to vector<1x16xf32>
      tpu.vector_store %arg5[%swap3A_68, %swap3A_69], %swap3A_72 {strides = array<i32>} : memref<128x128xf32, #tpu.memory_space<vmem>>, vector<1x16xf32>,
      %swap3A_73 = arith.index_cast %scan3A_48 : i32 to index
      %swap3A_74 = arith.constant 80 : index
      %swap3A_75 = tpu.vector_load %arg5[%swap3A_73, %swap3A_74] {strides = array<i32>} : memref<128x128xf32, #tpu.memory_space<vmem>>, vector<1x16xf32>,
      %swap3A_76 = vector.shape_cast %swap3A_75 : vector<1x16xf32> to vector<16xf32>
      %swap3A_77 = vector.shape_cast %broadcast_in_dim3A_1 : vector<16xf32> to vector<1x16xf32>
      tpu.vector_store %arg5[%swap3A_73, %swap3A_74], %swap3A_77 {strides = array<i32>} : memref<128x128xf32, #tpu.memory_space<vmem>>, vector<1x16xf32>,
      %swap3A_78 = arith.index_cast %scan3A_48 : i32 to index
      %swap3A_79 = arith.constant 96 : index
      %swap3A_80 = tpu.vector_load %arg5[%swap3A_78, %swap3A_79] {strides = array<i32>} : memref<128x128xf32, #tpu.memory_space<vmem>>, vector<1x16xf32>,
      %swap3A_81 = vector.shape_cast %swap3A_80 : vector<1x16xf32> to vector<16xf32>
      %swap3A_82 = vector.shape_cast %broadcast_in_dim3A_1 : vector<16xf32> to vector<1x16xf32>
      tpu.vector_store %arg5[%swap3A_78, %swap3A_79], %swap3A_82 {strides = array<i32>} : memref<128x128xf32, #tpu.memory_space<vmem>>, vector<1x16xf32>,
      %swap3A_83 = arith.index_cast %scan3A_48 : i32 to index
      %swap3A_84 = arith.constant 112 : index
      %swap3A_85 = tpu.vector_load %arg5[%swap3A_83, %swap3A_84] {strides = array<i32>} : memref<128x128xf32, #tpu.memory_space<vmem>>, vector<1x16xf32>,
      %swap3A_86 = vector.shape_cast %swap3A_85 : vector<1x16xf32> to vector<16xf32>
      %swap3A_87 = vector.shape_cast %broadcast_in_dim3A_1 : vector<16xf32> to vector<1x16xf32>
      tpu.vector_store %arg5[%swap3A_83, %swap3A_84], %swap3A_87 {strides = array<i32>} : memref<128x128xf32, #tpu.memory_space<vmem>>, vector<1x16xf32>,
    }
    %scan3A_36 = arith.constant 128 : i32
    %barrier3A = arith.constant 0 : index
    tpu.barrier barrier_id(%barrier3A)
    %scan3A_37 = arith.constant 0 : i32
    %scan3A_38 = arith.constant 0 : i32
    %scan3A_39 = arith.constant 80 : i32
    %scan3A_40 = arith.addi %scan3A_38, %scan3A_39 : i32
    %scan3A_41 = arith.constant 1 : i32
    scf.for %scan3A_48 = %scan3A_38 to %scan3A_40 step %scan3A_41  : i32 {
      "tpu.region"() ({
        %run_scoped3A = tpu.sem_alloc : memref<!tpu.dma_semaphore, #tpu.memory_space<semaphore_mem>>
        %dma_start3A = arith.constant 0 : i32
        %dma_start3A_49 = tpu.memref_slice %arg4[%scan3A_48, %dma_start3A] : memref<80x128xi32, #tpu.memory_space<vmem>> -> memref<1x128xi32, #tpu.memory_space<vmem>>
        %dma_start3A_50 = tpu.memref_squeeze %dma_start3A_49 : memref<1x128xi32, #tpu.memory_space<vmem>> -> memref<128xi32, #tpu.memory_space<vmem>>
        %dma_start3A_51 = arith.constant 0 : i32
        %dma_start3A_52 = arith.constant 0 : i32
        %dma_start3A_53 = tpu.memref_slice %arg6[%dma_start3A_51, %dma_start3A_52] : memref<10240x128xf32, #tpu.memory_space<vmem_shared>> -> memref<10240x128xf32, #tpu.memory_space<vmem_shared>>
        tpu.enqueue_indirect_dma source(%arg5 : memref<128x128xf32, #tpu.memory_space<vmem>>) target(%dma_start3A_53 : memref<10240x128xf32, #tpu.memory_space<vmem_shared>>) offsets(%dma_start3A_50 : memref<128xi32, #tpu.memory_space<vmem>>) semaphore(%run_scoped3A : memref<!tpu.dma_semaphore, #tpu.memory_space<semaphore_mem>>) {add = true}
        %dma_wait3A = arith.constant 0 : i32
        %dma_wait3A_54 = tpu.memref_slice %arg4[%scan3A_48, %dma_wait3A] : memref<80x128xi32, #tpu.memory_space<vmem>> -> memref<1x128xi32, #tpu.memory_space<vmem>>
        %dma_wait3A_55 = tpu.memref_squeeze %dma_wait3A_54 : memref<1x128xi32, #tpu.memory_space<vmem>> -> memref<128xi32, #tpu.memory_space<vmem>>
        %dma_wait3A_56 = arith.constant 0 : i32
        %dma_wait3A_57 = arith.constant 0 : i32
        %dma_wait3A_58 = tpu.memref_slice %arg6[%dma_wait3A_56, %dma_wait3A_57] : memref<10240x128xf32, #tpu.memory_space<vmem_shared>> -> memref<10240x128xf32, #tpu.memory_space<vmem_shared>>
        tpu.wait_indirect_dma semaphore(%run_scoped3A : memref<!tpu.dma_semaphore, #tpu.memory_space<semaphore_mem>>) src(%arg5 : memref<128x128xf32, #tpu.memory_space<vmem>>) dst(%dma_wait3A_58 : memref<10240x128xf32, #tpu.memory_space<vmem_shared>>)
        tpu.yield
      }) : () -> ()
    }
    %scan3A_42 = arith.constant 80 : i32
    %barrier3A_43 = arith.constant 0 : index
    tpu.barrier barrier_id(%barrier3A_43)
    %mul3A_44 = arith.constant 640 : i32
    %mul3A_45 = arith.muli %arg1, %mul3A_44 : i32
    %mul3A_46 = arith.constant 640 : i32
    %mul3A_47 = arith.muli %arg1, %mul3A_46 : i32
    "tpu.region"() ({
      %run_scoped3A = tpu.sem_alloc : memref<!tpu.dma_semaphore, #tpu.memory_space<semaphore_mem>>
      %dma_start3A = arith.constant 0 : i32
      %dma_start3A_48 = tpu.memref_slice %arg3[%arg0, %mul3A_47, %dma_start3A] : memref<2x10240x128xf32, #tpu.memory_space<hbm>> -> memref<1x640x128xf32, #tpu.memory_space<hbm>>
      %dma_start3A_49 = tpu.memref_squeeze %dma_start3A_48 : memref<1x640x128xf32, #tpu.memory_space<hbm>> -> memref<640x128xf32, #tpu.memory_space<hbm>>
      %dma_start3A_50 = arith.constant 0 : i32
      %dma_start3A_51 = tpu.memref_slice %arg6[%mul3A_45, %dma_start3A_50] : memref<10240x128xf32, #tpu.memory_space<vmem_shared>> -> memref<640x128xf32, #tpu.memory_space<vmem_shared>>
      tpu.enqueue_dma source(%dma_start3A_51 : memref<640x128xf32, #tpu.memory_space<vmem_shared>>) target(%dma_start3A_49 : memref<640x128xf32, #tpu.memory_space<hbm>>) target_semaphore(%run_scoped3A : memref<!tpu.dma_semaphore, #tpu.memory_space<semaphore_mem>>)
      %dma_wait3A = arith.constant 0 : i32
      %dma_wait3A_52 = tpu.memref_slice %arg3[%arg0, %mul3A_47, %dma_wait3A] : memref<2x10240x128xf32, #tpu.memory_space<hbm>> -> memref<1x640x128xf32, #tpu.memory_space<hbm>>
      %dma_wait3A_53 = tpu.memref_squeeze %dma_wait3A_52 : memref<1x640x128xf32, #tpu.memory_space<hbm>> -> memref<640x128xf32, #tpu.memory_space<hbm>>
      %dma_wait3A_54 = arith.constant 0 : i32
      %dma_wait3A_55 = tpu.memref_slice %arg6[%mul3A_45, %dma_wait3A_54] : memref<10240x128xf32, #tpu.memory_space<vmem_shared>> -> memref<640x128xf32, #tpu.memory_space<vmem_shared>>
      tpu.wait_dma2 semaphore(%run_scoped3A : memref<!tpu.dma_semaphore, #tpu.memory_space<semaphore_mem>>) src(%dma_wait3A_55 : memref<640x128xf32, #tpu.memory_space<vmem_shared>>) dst(%dma_wait3A_53 : memref<640x128xf32, #tpu.memory_space<hbm>>)
      tpu.yield
    }) : () -> ()
    return
  }
}

#map = affine_map<(d0, d1) -> (0, 0)>
#map1 = affine_map<(d0, d1) -> (0, 0, 0)>
module attributes {stable_mosaic.version = 14 : i64} {
  func.func @_agg_kernel(%arg0: i32, %arg1: i32, %arg2: memref<10240x128xf32, #tpu.memory_space<hbm>>, %arg3: memref<2560x128xi32, #tpu.memory_space<hbm>>, %arg4: memref<2560x128xi32, #tpu.memory_space<hbm>>, %arg5: memref<2x10240x128xf32, #tpu.memory_space<hbm>>, %arg6: memref<80x128xi32, #tpu.memory_space<vmem>>, %arg7: memref<80x128xi32, #tpu.memory_space<vmem>>, %arg8: memref<128x128xf32, #tpu.memory_space<vmem>>, %arg9: memref<10240x128xf32, #tpu.memory_space<vmem_shared>>, %arg10: memref<!tpu.dma_semaphore, #tpu.memory_space<semaphore_mem>>) attributes {dimension_semantics = [#tpu.dimension_semantics<core_parallel>, #tpu.dimension_semantics<subcore_parallel>], iteration_bounds = array<i64: 2, 16>, scalar_prefetch = 0 : i64, scratch_operands = 5 : i64, tpu.core_type = #tpu.core_type<sc_vector_subcore>, window_params = [{transform_indices = #map}, {transform_indices = #map}, {transform_indices = #map}, {transform_indices = #map1}]} {
    %mul3A = arith.constant 16 : i32
    %mul3A_0 = arith.muli %arg0, %mul3A : i32
    %add3A = arith.addi %mul3A_0, %arg1 : i32
    %broadcast_in_dim3A = arith.constant 0.000000e+00 : f32
    %broadcast_in_dim3A_1 = vector.broadcast %broadcast_in_dim3A : f32 to vector<16xf32>
    %scan3A = arith.constant 0 : i32
    %scan3A_2 = arith.constant 0 : i32
    %scan3A_3 = arith.constant 128 : i32
    %scan3A_4 = arith.addi %scan3A_2, %scan3A_3 : i32
    %scan3A_5 = arith.constant 1 : i32
    scf.for %scan3A_42 = %scan3A_2 to %scan3A_4 step %scan3A_5  : i32 {
      %swap3A = arith.index_cast %scan3A_42 : i32 to index
      %swap3A_43 = arith.constant 0 : index
      %swap3A_44 = tpu.vector_load %arg8[%swap3A, %swap3A_43] {strides = array<i32>} : memref<128x128xf32, #tpu.memory_space<vmem>>, vector<1x16xf32>,
      %swap3A_45 = vector.shape_cast %swap3A_44 : vector<1x16xf32> to vector<16xf32>
      %swap3A_46 = vector.shape_cast %broadcast_in_dim3A_1 : vector<16xf32> to vector<1x16xf32>
      tpu.vector_store %arg8[%swap3A, %swap3A_43], %swap3A_46 {strides = array<i32>} : memref<128x128xf32, #tpu.memory_space<vmem>>, vector<1x16xf32>,
      %swap3A_47 = arith.index_cast %scan3A_42 : i32 to index
      %swap3A_48 = arith.constant 16 : index
      %swap3A_49 = tpu.vector_load %arg8[%swap3A_47, %swap3A_48] {strides = array<i32>} : memref<128x128xf32, #tpu.memory_space<vmem>>, vector<1x16xf32>,
      %swap3A_50 = vector.shape_cast %swap3A_49 : vector<1x16xf32> to vector<16xf32>
      %swap3A_51 = vector.shape_cast %broadcast_in_dim3A_1 : vector<16xf32> to vector<1x16xf32>
      tpu.vector_store %arg8[%swap3A_47, %swap3A_48], %swap3A_51 {strides = array<i32>} : memref<128x128xf32, #tpu.memory_space<vmem>>, vector<1x16xf32>,
      %swap3A_52 = arith.index_cast %scan3A_42 : i32 to index
      %swap3A_53 = arith.constant 32 : index
      %swap3A_54 = tpu.vector_load %arg8[%swap3A_52, %swap3A_53] {strides = array<i32>} : memref<128x128xf32, #tpu.memory_space<vmem>>, vector<1x16xf32>,
      %swap3A_55 = vector.shape_cast %swap3A_54 : vector<1x16xf32> to vector<16xf32>
      %swap3A_56 = vector.shape_cast %broadcast_in_dim3A_1 : vector<16xf32> to vector<1x16xf32>
      tpu.vector_store %arg8[%swap3A_52, %swap3A_53], %swap3A_56 {strides = array<i32>} : memref<128x128xf32, #tpu.memory_space<vmem>>, vector<1x16xf32>,
      %swap3A_57 = arith.index_cast %scan3A_42 : i32 to index
      %swap3A_58 = arith.constant 48 : index
      %swap3A_59 = tpu.vector_load %arg8[%swap3A_57, %swap3A_58] {strides = array<i32>} : memref<128x128xf32, #tpu.memory_space<vmem>>, vector<1x16xf32>,
      %swap3A_60 = vector.shape_cast %swap3A_59 : vector<1x16xf32> to vector<16xf32>
      %swap3A_61 = vector.shape_cast %broadcast_in_dim3A_1 : vector<16xf32> to vector<1x16xf32>
      tpu.vector_store %arg8[%swap3A_57, %swap3A_58], %swap3A_61 {strides = array<i32>} : memref<128x128xf32, #tpu.memory_space<vmem>>, vector<1x16xf32>,
      %swap3A_62 = arith.index_cast %scan3A_42 : i32 to index
      %swap3A_63 = arith.constant 64 : index
      %swap3A_64 = tpu.vector_load %arg8[%swap3A_62, %swap3A_63] {strides = array<i32>} : memref<128x128xf32, #tpu.memory_space<vmem>>, vector<1x16xf32>,
      %swap3A_65 = vector.shape_cast %swap3A_64 : vector<1x16xf32> to vector<16xf32>
      %swap3A_66 = vector.shape_cast %broadcast_in_dim3A_1 : vector<16xf32> to vector<1x16xf32>
      tpu.vector_store %arg8[%swap3A_62, %swap3A_63], %swap3A_66 {strides = array<i32>} : memref<128x128xf32, #tpu.memory_space<vmem>>, vector<1x16xf32>,
      %swap3A_67 = arith.index_cast %scan3A_42 : i32 to index
      %swap3A_68 = arith.constant 80 : index
      %swap3A_69 = tpu.vector_load %arg8[%swap3A_67, %swap3A_68] {strides = array<i32>} : memref<128x128xf32, #tpu.memory_space<vmem>>, vector<1x16xf32>,
      %swap3A_70 = vector.shape_cast %swap3A_69 : vector<1x16xf32> to vector<16xf32>
      %swap3A_71 = vector.shape_cast %broadcast_in_dim3A_1 : vector<16xf32> to vector<1x16xf32>
      tpu.vector_store %arg8[%swap3A_67, %swap3A_68], %swap3A_71 {strides = array<i32>} : memref<128x128xf32, #tpu.memory_space<vmem>>, vector<1x16xf32>,
      %swap3A_72 = arith.index_cast %scan3A_42 : i32 to index
      %swap3A_73 = arith.constant 96 : index
      %swap3A_74 = tpu.vector_load %arg8[%swap3A_72, %swap3A_73] {strides = array<i32>} : memref<128x128xf32, #tpu.memory_space<vmem>>, vector<1x16xf32>,
      %swap3A_75 = vector.shape_cast %swap3A_74 : vector<1x16xf32> to vector<16xf32>
      %swap3A_76 = vector.shape_cast %broadcast_in_dim3A_1 : vector<16xf32> to vector<1x16xf32>
      tpu.vector_store %arg8[%swap3A_72, %swap3A_73], %swap3A_76 {strides = array<i32>} : memref<128x128xf32, #tpu.memory_space<vmem>>, vector<1x16xf32>,
      %swap3A_77 = arith.index_cast %scan3A_42 : i32 to index
      %swap3A_78 = arith.constant 112 : index
      %swap3A_79 = tpu.vector_load %arg8[%swap3A_77, %swap3A_78] {strides = array<i32>} : memref<128x128xf32, #tpu.memory_space<vmem>>, vector<1x16xf32>,
      %swap3A_80 = vector.shape_cast %swap3A_79 : vector<1x16xf32> to vector<16xf32>
      %swap3A_81 = vector.shape_cast %broadcast_in_dim3A_1 : vector<16xf32> to vector<1x16xf32>
      tpu.vector_store %arg8[%swap3A_77, %swap3A_78], %swap3A_81 {strides = array<i32>} : memref<128x128xf32, #tpu.memory_space<vmem>>, vector<1x16xf32>,
    }
    %scan3A_6 = arith.constant 128 : i32
    %mul3A_7 = arith.constant 640 : i32
    %mul3A_8 = arith.muli %arg1, %mul3A_7 : i32
    %add3A_9 = arith.constant 0 : i32
    %add3A_10 = arith.addi %mul3A_8, %add3A_9 : i32
    "tpu.region"() ({
      %run_scoped3A = tpu.sem_alloc : memref<!tpu.dma_semaphore, #tpu.memory_space<semaphore_mem>>
      %dma_start3A = arith.constant 0 : i32
      %dma_start3A_42 = tpu.memref_slice %arg9[%add3A_10, %dma_start3A] : memref<10240x128xf32, #tpu.memory_space<vmem_shared>> -> memref<128x128xf32, #tpu.memory_space<vmem_shared>>
      %dma_start3A_43 = arith.constant 0 : i32
      %dma_start3A_44 = tpu.memref_slice %arg9[%add3A_10, %dma_start3A_43] : memref<10240x128xf32, #tpu.memory_space<vmem_shared>> -> memref<128x128xf32, #tpu.memory_space<vmem_shared>>
      tpu.enqueue_dma source(%arg8 : memref<128x128xf32, #tpu.memory_space<vmem>>) target(%dma_start3A_44 : memref<128x128xf32, #tpu.memory_space<vmem_shared>>) target_semaphore(%run_scoped3A : memref<!tpu.dma_semaphore, #tpu.memory_space<semaphore_mem>>)
      %dma_wait3A = arith.constant 0 : i32
      %dma_wait3A_45 = tpu.memref_slice %arg9[%add3A_10, %dma_wait3A] : memref<10240x128xf32, #tpu.memory_space<vmem_shared>> -> memref<128x128xf32, #tpu.memory_space<vmem_shared>>
      %dma_wait3A_46 = arith.constant 0 : i32
      %dma_wait3A_47 = tpu.memref_slice %arg9[%add3A_10, %dma_wait3A_46] : memref<10240x128xf32, #tpu.memory_space<vmem_shared>> -> memref<128x128xf32, #tpu.memory_space<vmem_shared>>
      tpu.wait_dma2 semaphore(%run_scoped3A : memref<!tpu.dma_semaphore, #tpu.memory_space<semaphore_mem>>) src(%arg8 : memref<128x128xf32, #tpu.memory_space<vmem>>) dst(%dma_wait3A_47 : memref<128x128xf32, #tpu.memory_space<vmem_shared>>)
      tpu.yield
    }) : () -> ()
    %mul3A_11 = arith.constant 640 : i32
    %mul3A_12 = arith.muli %arg1, %mul3A_11 : i32
    %add3A_13 = arith.constant 128 : i32
    %add3A_14 = arith.addi %mul3A_12, %add3A_13 : i32
    "tpu.region"() ({
      %run_scoped3A = tpu.sem_alloc : memref<!tpu.dma_semaphore, #tpu.memory_space<semaphore_mem>>
      %dma_start3A = arith.constant 0 : i32
      %dma_start3A_42 = tpu.memref_slice %arg9[%add3A_14, %dma_start3A] : memref<10240x128xf32, #tpu.memory_space<vmem_shared>> -> memref<128x128xf32, #tpu.memory_space<vmem_shared>>
      %dma_start3A_43 = arith.constant 0 : i32
      %dma_start3A_44 = tpu.memref_slice %arg9[%add3A_14, %dma_start3A_43] : memref<10240x128xf32, #tpu.memory_space<vmem_shared>> -> memref<128x128xf32, #tpu.memory_space<vmem_shared>>
      tpu.enqueue_dma source(%arg8 : memref<128x128xf32, #tpu.memory_space<vmem>>) target(%dma_start3A_44 : memref<128x128xf32, #tpu.memory_space<vmem_shared>>) target_semaphore(%run_scoped3A : memref<!tpu.dma_semaphore, #tpu.memory_space<semaphore_mem>>)
      %dma_wait3A = arith.constant 0 : i32
      %dma_wait3A_45 = tpu.memref_slice %arg9[%add3A_14, %dma_wait3A] : memref<10240x128xf32, #tpu.memory_space<vmem_shared>> -> memref<128x128xf32, #tpu.memory_space<vmem_shared>>
      %dma_wait3A_46 = arith.constant 0 : i32
      %dma_wait3A_47 = tpu.memref_slice %arg9[%add3A_14, %dma_wait3A_46] : memref<10240x128xf32, #tpu.memory_space<vmem_shared>> -> memref<128x128xf32, #tpu.memory_space<vmem_shared>>
      tpu.wait_dma2 semaphore(%run_scoped3A : memref<!tpu.dma_semaphore, #tpu.memory_space<semaphore_mem>>) src(%arg8 : memref<128x128xf32, #tpu.memory_space<vmem>>) dst(%dma_wait3A_47 : memref<128x128xf32, #tpu.memory_space<vmem_shared>>)
      tpu.yield
    }) : () -> ()
    %mul3A_15 = arith.constant 640 : i32
    %mul3A_16 = arith.muli %arg1, %mul3A_15 : i32
    %add3A_17 = arith.constant 256 : i32
    %add3A_18 = arith.addi %mul3A_16, %add3A_17 : i32
    "tpu.region"() ({
      %run_scoped3A = tpu.sem_alloc : memref<!tpu.dma_semaphore, #tpu.memory_space<semaphore_mem>>
      %dma_start3A = arith.constant 0 : i32
      %dma_start3A_42 = tpu.memref_slice %arg9[%add3A_18, %dma_start3A] : memref<10240x128xf32, #tpu.memory_space<vmem_shared>> -> memref<128x128xf32, #tpu.memory_space<vmem_shared>>
      %dma_start3A_43 = arith.constant 0 : i32
      %dma_start3A_44 = tpu.memref_slice %arg9[%add3A_18, %dma_start3A_43] : memref<10240x128xf32, #tpu.memory_space<vmem_shared>> -> memref<128x128xf32, #tpu.memory_space<vmem_shared>>
      tpu.enqueue_dma source(%arg8 : memref<128x128xf32, #tpu.memory_space<vmem>>) target(%dma_start3A_44 : memref<128x128xf32, #tpu.memory_space<vmem_shared>>) target_semaphore(%run_scoped3A : memref<!tpu.dma_semaphore, #tpu.memory_space<semaphore_mem>>)
      %dma_wait3A = arith.constant 0 : i32
      %dma_wait3A_45 = tpu.memref_slice %arg9[%add3A_18, %dma_wait3A] : memref<10240x128xf32, #tpu.memory_space<vmem_shared>> -> memref<128x128xf32, #tpu.memory_space<vmem_shared>>
      %dma_wait3A_46 = arith.constant 0 : i32
      %dma_wait3A_47 = tpu.memref_slice %arg9[%add3A_18, %dma_wait3A_46] : memref<10240x128xf32, #tpu.memory_space<vmem_shared>> -> memref<128x128xf32, #tpu.memory_space<vmem_shared>>
      tpu.wait_dma2 semaphore(%run_scoped3A : memref<!tpu.dma_semaphore, #tpu.memory_space<semaphore_mem>>) src(%arg8 : memref<128x128xf32, #tpu.memory_space<vmem>>) dst(%dma_wait3A_47 : memref<128x128xf32, #tpu.memory_space<vmem_shared>>)
      tpu.yield
    }) : () -> ()
    %mul3A_19 = arith.constant 640 : i32
    %mul3A_20 = arith.muli %arg1, %mul3A_19 : i32
    %add3A_21 = arith.constant 384 : i32
    %add3A_22 = arith.addi %mul3A_20, %add3A_21 : i32
    "tpu.region"() ({
      %run_scoped3A = tpu.sem_alloc : memref<!tpu.dma_semaphore, #tpu.memory_space<semaphore_mem>>
      %dma_start3A = arith.constant 0 : i32
      %dma_start3A_42 = tpu.memref_slice %arg9[%add3A_22, %dma_start3A] : memref<10240x128xf32, #tpu.memory_space<vmem_shared>> -> memref<128x128xf32, #tpu.memory_space<vmem_shared>>
      %dma_start3A_43 = arith.constant 0 : i32
      %dma_start3A_44 = tpu.memref_slice %arg9[%add3A_22, %dma_start3A_43] : memref<10240x128xf32, #tpu.memory_space<vmem_shared>> -> memref<128x128xf32, #tpu.memory_space<vmem_shared>>
      tpu.enqueue_dma source(%arg8 : memref<128x128xf32, #tpu.memory_space<vmem>>) target(%dma_start3A_44 : memref<128x128xf32, #tpu.memory_space<vmem_shared>>) target_semaphore(%run_scoped3A : memref<!tpu.dma_semaphore, #tpu.memory_space<semaphore_mem>>)
      %dma_wait3A = arith.constant 0 : i32
      %dma_wait3A_45 = tpu.memref_slice %arg9[%add3A_22, %dma_wait3A] : memref<10240x128xf32, #tpu.memory_space<vmem_shared>> -> memref<128x128xf32, #tpu.memory_space<vmem_shared>>
      %dma_wait3A_46 = arith.constant 0 : i32
      %dma_wait3A_47 = tpu.memref_slice %arg9[%add3A_22, %dma_wait3A_46] : memref<10240x128xf32, #tpu.memory_space<vmem_shared>> -> memref<128x128xf32, #tpu.memory_space<vmem_shared>>
      tpu.wait_dma2 semaphore(%run_scoped3A : memref<!tpu.dma_semaphore, #tpu.memory_space<semaphore_mem>>) src(%arg8 : memref<128x128xf32, #tpu.memory_space<vmem>>) dst(%dma_wait3A_47 : memref<128x128xf32, #tpu.memory_space<vmem_shared>>)
      tpu.yield
    }) : () -> ()
    %mul3A_23 = arith.constant 640 : i32
    %mul3A_24 = arith.muli %arg1, %mul3A_23 : i32
    %add3A_25 = arith.constant 512 : i32
    %add3A_26 = arith.addi %mul3A_24, %add3A_25 : i32
    "tpu.region"() ({
      %run_scoped3A = tpu.sem_alloc : memref<!tpu.dma_semaphore, #tpu.memory_space<semaphore_mem>>
      %dma_start3A = arith.constant 0 : i32
      %dma_start3A_42 = tpu.memref_slice %arg9[%add3A_26, %dma_start3A] : memref<10240x128xf32, #tpu.memory_space<vmem_shared>> -> memref<128x128xf32, #tpu.memory_space<vmem_shared>>
      %dma_start3A_43 = arith.constant 0 : i32
      %dma_start3A_44 = tpu.memref_slice %arg9[%add3A_26, %dma_start3A_43] : memref<10240x128xf32, #tpu.memory_space<vmem_shared>> -> memref<128x128xf32, #tpu.memory_space<vmem_shared>>
      tpu.enqueue_dma source(%arg8 : memref<128x128xf32, #tpu.memory_space<vmem>>) target(%dma_start3A_44 : memref<128x128xf32, #tpu.memory_space<vmem_shared>>) target_semaphore(%run_scoped3A : memref<!tpu.dma_semaphore, #tpu.memory_space<semaphore_mem>>)
      %dma_wait3A = arith.constant 0 : i32
      %dma_wait3A_45 = tpu.memref_slice %arg9[%add3A_26, %dma_wait3A] : memref<10240x128xf32, #tpu.memory_space<vmem_shared>> -> memref<128x128xf32, #tpu.memory_space<vmem_shared>>
      %dma_wait3A_46 = arith.constant 0 : i32
      %dma_wait3A_47 = tpu.memref_slice %arg9[%add3A_26, %dma_wait3A_46] : memref<10240x128xf32, #tpu.memory_space<vmem_shared>> -> memref<128x128xf32, #tpu.memory_space<vmem_shared>>
      tpu.wait_dma2 semaphore(%run_scoped3A : memref<!tpu.dma_semaphore, #tpu.memory_space<semaphore_mem>>) src(%arg8 : memref<128x128xf32, #tpu.memory_space<vmem>>) dst(%dma_wait3A_47 : memref<128x128xf32, #tpu.memory_space<vmem_shared>>)
      tpu.yield
    }) : () -> ()
    %mul3A_27 = arith.constant 80 : i32
    %mul3A_28 = arith.muli %add3A, %mul3A_27 : i32
    "tpu.region"() ({
      %run_scoped3A = tpu.sem_alloc : memref<!tpu.dma_semaphore, #tpu.memory_space<semaphore_mem>>
      %dma_start3A = arith.constant 0 : i32
      %dma_start3A_42 = tpu.memref_slice %arg3[%mul3A_28, %dma_start3A] : memref<2560x128xi32, #tpu.memory_space<hbm>> -> memref<80x128xi32, #tpu.memory_space<hbm>>
      %dma_start3A_43 = arith.constant 0 : i32
      %dma_start3A_44 = tpu.memref_slice %arg3[%mul3A_28, %dma_start3A_43] : memref<2560x128xi32, #tpu.memory_space<hbm>> -> memref<80x128xi32, #tpu.memory_space<hbm>>
      tpu.enqueue_dma source(%dma_start3A_44 : memref<80x128xi32, #tpu.memory_space<hbm>>) target(%arg6 : memref<80x128xi32, #tpu.memory_space<vmem>>) target_semaphore(%run_scoped3A : memref<!tpu.dma_semaphore, #tpu.memory_space<semaphore_mem>>)
      %dma_wait3A = arith.constant 0 : i32
      %dma_wait3A_45 = tpu.memref_slice %arg3[%mul3A_28, %dma_wait3A] : memref<2560x128xi32, #tpu.memory_space<hbm>> -> memref<80x128xi32, #tpu.memory_space<hbm>>
      %dma_wait3A_46 = arith.constant 0 : i32
      %dma_wait3A_47 = tpu.memref_slice %arg3[%mul3A_28, %dma_wait3A_46] : memref<2560x128xi32, #tpu.memory_space<hbm>> -> memref<80x128xi32, #tpu.memory_space<hbm>>
      tpu.wait_dma2 semaphore(%run_scoped3A : memref<!tpu.dma_semaphore, #tpu.memory_space<semaphore_mem>>) src(%dma_wait3A_47 : memref<80x128xi32, #tpu.memory_space<hbm>>) dst(%arg6 : memref<80x128xi32, #tpu.memory_space<vmem>>)
      tpu.yield
    }) : () -> ()
    %mul3A_29 = arith.constant 80 : i32
    %mul3A_30 = arith.muli %add3A, %mul3A_29 : i32
    "tpu.region"() ({
      %run_scoped3A = tpu.sem_alloc : memref<!tpu.dma_semaphore, #tpu.memory_space<semaphore_mem>>
      %dma_start3A = arith.constant 0 : i32
      %dma_start3A_42 = tpu.memref_slice %arg4[%mul3A_30, %dma_start3A] : memref<2560x128xi32, #tpu.memory_space<hbm>> -> memref<80x128xi32, #tpu.memory_space<hbm>>
      %dma_start3A_43 = arith.constant 0 : i32
      %dma_start3A_44 = tpu.memref_slice %arg4[%mul3A_30, %dma_start3A_43] : memref<2560x128xi32, #tpu.memory_space<hbm>> -> memref<80x128xi32, #tpu.memory_space<hbm>>
      tpu.enqueue_dma source(%dma_start3A_44 : memref<80x128xi32, #tpu.memory_space<hbm>>) target(%arg7 : memref<80x128xi32, #tpu.memory_space<vmem>>) target_semaphore(%run_scoped3A : memref<!tpu.dma_semaphore, #tpu.memory_space<semaphore_mem>>)
      %dma_wait3A = arith.constant 0 : i32
      %dma_wait3A_45 = tpu.memref_slice %arg4[%mul3A_30, %dma_wait3A] : memref<2560x128xi32, #tpu.memory_space<hbm>> -> memref<80x128xi32, #tpu.memory_space<hbm>>
      %dma_wait3A_46 = arith.constant 0 : i32
      %dma_wait3A_47 = tpu.memref_slice %arg4[%mul3A_30, %dma_wait3A_46] : memref<2560x128xi32, #tpu.memory_space<hbm>> -> memref<80x128xi32, #tpu.memory_space<hbm>>
      tpu.wait_dma2 semaphore(%run_scoped3A : memref<!tpu.dma_semaphore, #tpu.memory_space<semaphore_mem>>) src(%dma_wait3A_47 : memref<80x128xi32, #tpu.memory_space<hbm>>) dst(%arg7 : memref<80x128xi32, #tpu.memory_space<vmem>>)
      tpu.yield
    }) : () -> ()
    %barrier3A = arith.constant 0 : index
    tpu.barrier barrier_id(%barrier3A)
    %scan3A_31 = arith.constant 0 : i32
    %scan3A_32 = arith.constant 0 : i32
    %scan3A_33 = arith.constant 80 : i32
    %scan3A_34 = arith.addi %scan3A_32, %scan3A_33 : i32
    %scan3A_35 = arith.constant 1 : i32
    scf.for %scan3A_42 = %scan3A_32 to %scan3A_34 step %scan3A_35  : i32 {
      %dma_start3A = arith.constant 0 : i32
      %dma_start3A_43 = tpu.memref_slice %arg6[%scan3A_42, %dma_start3A] : memref<80x128xi32, #tpu.memory_space<vmem>> -> memref<1x128xi32, #tpu.memory_space<vmem>>
      %dma_start3A_44 = tpu.memref_squeeze %dma_start3A_43 : memref<1x128xi32, #tpu.memory_space<vmem>> -> memref<128xi32, #tpu.memory_space<vmem>>
      %dma_start3A_45 = arith.constant 0 : i32
      %dma_start3A_46 = arith.constant 0 : i32
      %dma_start3A_47 = tpu.memref_slice %arg2[%dma_start3A_45, %dma_start3A_46] : memref<10240x128xf32, #tpu.memory_space<hbm>> -> memref<10240x128xf32, #tpu.memory_space<hbm>>
      tpu.enqueue_indirect_dma source(%dma_start3A_47 : memref<10240x128xf32, #tpu.memory_space<hbm>>) target(%arg8 : memref<128x128xf32, #tpu.memory_space<vmem>>) offsets(%dma_start3A_44 : memref<128xi32, #tpu.memory_space<vmem>>) semaphore(%arg10 : memref<!tpu.dma_semaphore, #tpu.memory_space<semaphore_mem>>)
      %dma_wait3A = arith.constant 0 : i32
      %dma_wait3A_48 = tpu.memref_slice %arg6[%scan3A_42, %dma_wait3A] : memref<80x128xi32, #tpu.memory_space<vmem>> -> memref<1x128xi32, #tpu.memory_space<vmem>>
      %dma_wait3A_49 = tpu.memref_squeeze %dma_wait3A_48 : memref<1x128xi32, #tpu.memory_space<vmem>> -> memref<128xi32, #tpu.memory_space<vmem>>
      %dma_wait3A_50 = arith.constant 0 : i32
      %dma_wait3A_51 = arith.constant 0 : i32
      %dma_wait3A_52 = tpu.memref_slice %arg2[%dma_wait3A_50, %dma_wait3A_51] : memref<10240x128xf32, #tpu.memory_space<hbm>> -> memref<10240x128xf32, #tpu.memory_space<hbm>>
      tpu.wait_indirect_dma semaphore(%arg10 : memref<!tpu.dma_semaphore, #tpu.memory_space<semaphore_mem>>) src(%dma_wait3A_52 : memref<10240x128xf32, #tpu.memory_space<hbm>>) dst(%arg8 : memref<128x128xf32, #tpu.memory_space<vmem>>)
      "tpu.region"() ({
        %run_scoped3A = tpu.sem_alloc : memref<!tpu.dma_semaphore, #tpu.memory_space<semaphore_mem>>
        %dma_start3A_53 = arith.constant 0 : i32
        %dma_start3A_54 = tpu.memref_slice %arg7[%scan3A_42, %dma_start3A_53] : memref<80x128xi32, #tpu.memory_space<vmem>> -> memref<1x128xi32, #tpu.memory_space<vmem>>
        %dma_start3A_55 = tpu.memref_squeeze %dma_start3A_54 : memref<1x128xi32, #tpu.memory_space<vmem>> -> memref<128xi32, #tpu.memory_space<vmem>>
        %dma_start3A_56 = arith.constant 0 : i32
        %dma_start3A_57 = arith.constant 0 : i32
        %dma_start3A_58 = tpu.memref_slice %arg9[%dma_start3A_56, %dma_start3A_57] : memref<10240x128xf32, #tpu.memory_space<vmem_shared>> -> memref<10240x128xf32, #tpu.memory_space<vmem_shared>>
        tpu.enqueue_indirect_dma source(%arg8 : memref<128x128xf32, #tpu.memory_space<vmem>>) target(%dma_start3A_58 : memref<10240x128xf32, #tpu.memory_space<vmem_shared>>) offsets(%dma_start3A_55 : memref<128xi32, #tpu.memory_space<vmem>>) semaphore(%run_scoped3A : memref<!tpu.dma_semaphore, #tpu.memory_space<semaphore_mem>>) {add = true}
        %dma_wait3A_59 = arith.constant 0 : i32
        %dma_wait3A_60 = tpu.memref_slice %arg7[%scan3A_42, %dma_wait3A_59] : memref<80x128xi32, #tpu.memory_space<vmem>> -> memref<1x128xi32, #tpu.memory_space<vmem>>
        %dma_wait3A_61 = tpu.memref_squeeze %dma_wait3A_60 : memref<1x128xi32, #tpu.memory_space<vmem>> -> memref<128xi32, #tpu.memory_space<vmem>>
        %dma_wait3A_62 = arith.constant 0 : i32
        %dma_wait3A_63 = arith.constant 0 : i32
        %dma_wait3A_64 = tpu.memref_slice %arg9[%dma_wait3A_62, %dma_wait3A_63] : memref<10240x128xf32, #tpu.memory_space<vmem_shared>> -> memref<10240x128xf32, #tpu.memory_space<vmem_shared>>
        tpu.wait_indirect_dma semaphore(%run_scoped3A : memref<!tpu.dma_semaphore, #tpu.memory_space<semaphore_mem>>) src(%arg8 : memref<128x128xf32, #tpu.memory_space<vmem>>) dst(%dma_wait3A_64 : memref<10240x128xf32, #tpu.memory_space<vmem_shared>>)
        tpu.yield
      }) : () -> ()
    }
    %scan3A_36 = arith.constant 80 : i32
    %barrier3A_37 = arith.constant 0 : index
    tpu.barrier barrier_id(%barrier3A_37)
    %mul3A_38 = arith.constant 640 : i32
    %mul3A_39 = arith.muli %arg1, %mul3A_38 : i32
    %mul3A_40 = arith.constant 640 : i32
    %mul3A_41 = arith.muli %arg1, %mul3A_40 : i32
    "tpu.region"() ({
      %run_scoped3A = tpu.sem_alloc : memref<!tpu.dma_semaphore, #tpu.memory_space<semaphore_mem>>
      %dma_start3A = arith.constant 0 : i32
      %dma_start3A_42 = tpu.memref_slice %arg5[%arg0, %mul3A_41, %dma_start3A] : memref<2x10240x128xf32, #tpu.memory_space<hbm>> -> memref<1x640x128xf32, #tpu.memory_space<hbm>>
      %dma_start3A_43 = tpu.memref_squeeze %dma_start3A_42 : memref<1x640x128xf32, #tpu.memory_space<hbm>> -> memref<640x128xf32, #tpu.memory_space<hbm>>
      %dma_start3A_44 = arith.constant 0 : i32
      %dma_start3A_45 = tpu.memref_slice %arg9[%mul3A_39, %dma_start3A_44] : memref<10240x128xf32, #tpu.memory_space<vmem_shared>> -> memref<640x128xf32, #tpu.memory_space<vmem_shared>>
      tpu.enqueue_dma source(%dma_start3A_45 : memref<640x128xf32, #tpu.memory_space<vmem_shared>>) target(%dma_start3A_43 : memref<640x128xf32, #tpu.memory_space<hbm>>) target_semaphore(%run_scoped3A : memref<!tpu.dma_semaphore, #tpu.memory_space<semaphore_mem>>)
      %dma_wait3A = arith.constant 0 : i32
      %dma_wait3A_46 = tpu.memref_slice %arg5[%arg0, %mul3A_41, %dma_wait3A] : memref<2x10240x128xf32, #tpu.memory_space<hbm>> -> memref<1x640x128xf32, #tpu.memory_space<hbm>>
      %dma_wait3A_47 = tpu.memref_squeeze %dma_wait3A_46 : memref<1x640x128xf32, #tpu.memory_space<hbm>> -> memref<640x128xf32, #tpu.memory_space<hbm>>
      %dma_wait3A_48 = arith.constant 0 : i32
      %dma_wait3A_49 = tpu.memref_slice %arg9[%mul3A_39, %dma_wait3A_48] : memref<10240x128xf32, #tpu.memory_space<vmem_shared>> -> memref<640x128xf32, #tpu.memory_space<vmem_shared>>
      tpu.wait_dma2 semaphore(%run_scoped3A : memref<!tpu.dma_semaphore, #tpu.memory_space<semaphore_mem>>) src(%dma_wait3A_49 : memref<640x128xf32, #tpu.memory_space<vmem_shared>>) dst(%dma_wait3A_47 : memref<640x128xf32, #tpu.memory_space<hbm>>)
      tpu.yield
    }) : () -> ()
    return
  }
}

module attributes {stable_mosaic.version = 14 : i64} {
  func.func @_first_body(%arg0: i32, %arg1: memref<1024x128xf32, #tpu.memory_space<vmem>>, %arg2: memref<128x128xf32, #tpu.memory_space<vmem>>, %arg3: memref<2x1024x128xf32, #tpu.memory_space<vmem>>, %arg4: memref<1024x128xf32, #tpu.memory_space<vmem>>, %arg5: memref<1024x128xf32, #tpu.memory_space<vmem>>) attributes {dimension_semantics = [#tpu.dimension_semantics<arbitrary>], iteration_bounds = array<i64: 10>, scalar_prefetch = 0 : i64, scratch_operands = 0 : i64, tpu.core_type = #tpu.core_type<tc>, window_params = [{transform_indices = @transform_0, window_bounds = array<i64: 1024, 128>}, {pipeline_mode = #tpu.pipeline_mode<synchronous>, transform_indices = @transform_1, window_bounds = array<i64: 128, 128>}, {transform_indices = @transform_2, window_bounds = array<i64: 2, 1024, 128>}, {transform_indices = @transform_3, window_bounds = array<i64: 1024, 128>}, {transform_indices = @transform_4, window_bounds = array<i64: 1024, 128>}]} {
    %get3A = arith.constant 0 : index
    %get3A_0 = arith.constant 0 : index
    %get3A_1 = arith.constant 0 : index
    %get3A_2 = vector.load %arg3[%get3A, %get3A_0, %get3A_1] : memref<2x1024x128xf32, #tpu.memory_space<vmem>>, vector<1x1024x128xf32>
    %get3A_3 = vector.shape_cast %get3A_2 : vector<1x1024x128xf32> to vector<1024x128xf32>
    %get3A_4 = arith.constant 1 : index
    %get3A_5 = arith.constant 0 : index
    %get3A_6 = arith.constant 0 : index
    %get3A_7 = vector.load %arg3[%get3A_4, %get3A_5, %get3A_6] : memref<2x1024x128xf32, #tpu.memory_space<vmem>>, vector<1x1024x128xf32>
    %get3A_8 = vector.shape_cast %get3A_7 : vector<1x1024x128xf32> to vector<1024x128xf32>
    %add3A = arith.addf %get3A_3, %get3A_8 : vector<1024x128xf32>
    %add3A_9 = arith.constant 1.000000e+00 : f32
    %add3A_10 = vector.broadcast %add3A_9 : f32 to vector<1024x128xf32>
    %add3A_11 = arith.addf %add3A, %add3A_10 : vector<1024x128xf32>
    %rsqrt3A = math.rsqrt %add3A_11 : vector<1024x128xf32>
    %get3A_12 = arith.constant 0 : index
    %get3A_13 = arith.constant 0 : index
    %get3A_14 = vector.load %arg1[%get3A_12, %get3A_13] : memref<1024x128xf32, #tpu.memory_space<vmem>>, vector<1024x128xf32>
    %get3A_15 = arith.constant 0 : index
    %get3A_16 = arith.constant 0 : index
    %get3A_17 = vector.load %arg2[%get3A_15, %get3A_16] : memref<128x128xf32, #tpu.memory_space<vmem>>, vector<128x128xf32>
    %dot_general3A = arith.constant dense<0.000000e+00> : vector<1024x128xf32>
    %dot_general3A_18 = tpu.matmul %get3A_14, %get3A_17, %dot_general3A {dimension_numbers = #tpu.dot_dimension_numbers<[1], [0], [0], [1], [0, 0, 1, 1], [], []>, transpose_lhs_hint = false} : vector<1024x128xf32>, vector<128x128xf32>, vector<1024x128xf32> -> vector<1024x128xf32>
    %mul3A = arith.mulf %dot_general3A_18, %rsqrt3A : vector<1024x128xf32>
    %swap3A = arith.constant 0 : index
    %swap3A_19 = arith.constant 0 : index
    %swap3A_20 = vector.load %arg4[%swap3A, %swap3A_19] : memref<1024x128xf32, #tpu.memory_space<vmem>>, vector<1024x128xf32>
    tpu.vector_store %arg4[%swap3A, %swap3A_19], %mul3A {strides = array<i32>} : memref<1024x128xf32, #tpu.memory_space<vmem>>, vector<1024x128xf32>,
    %swap3A_21 = arith.constant 0 : index
    %swap3A_22 = arith.constant 0 : index
    %swap3A_23 = vector.load %arg5[%swap3A_21, %swap3A_22] : memref<1024x128xf32, #tpu.memory_space<vmem>>, vector<1024x128xf32>
    tpu.vector_store %arg5[%swap3A_21, %swap3A_22], %rsqrt3A {strides = array<i32>} : memref<1024x128xf32, #tpu.memory_space<vmem>>, vector<1024x128xf32>,
    return
  }
  func.func @transform_0(%arg0: i32) -> (i32, i32) {
    %c0_i32 = arith.constant 0 : i32
    %c0_i32_0 = arith.constant 0 : i32
    return %arg0, %c0_i32 : i32, i32
  }
  func.func @transform_1(%arg0: i32) -> (i32, i32) {
    %c0_i32 = arith.constant 0 : i32
    %c0_i32_0 = arith.constant 0 : i32
    %c0_i32_1 = arith.constant 0 : i32
    return %c0_i32, %c0_i32_0 : i32, i32
  }
  func.func @transform_2(%arg0: i32) -> (i32, i32, i32) {
    %c0_i32 = arith.constant 0 : i32
    %c0_i32_0 = arith.constant 0 : i32
    %c0_i32_1 = arith.constant 0 : i32
    return %c0_i32, %arg0, %c0_i32_0 : i32, i32, i32
  }
  func.func @transform_3(%arg0: i32) -> (i32, i32) {
    %c0_i32 = arith.constant 0 : i32
    %c0_i32_0 = arith.constant 0 : i32
    return %arg0, %c0_i32 : i32, i32
  }
  func.func @transform_4(%arg0: i32) -> (i32, i32) {
    %c0_i32 = arith.constant 0 : i32
    %c0_i32_0 = arith.constant 0 : i32
    return %arg0, %c0_i32 : i32, i32
  }
}

module attributes {stable_mosaic.version = 14 : i64} {
  func.func @_mid_body(%arg0: i32, %arg1: memref<2x1024x128xf32, #tpu.memory_space<vmem>>, %arg2: memref<1024x128xf32, #tpu.memory_space<vmem>>, %arg3: memref<1024x128xf32, #tpu.memory_space<vmem>>, %arg4: memref<1x128xf32, #tpu.memory_space<vmem>>, %arg5: memref<128x128xf32, #tpu.memory_space<vmem>>, %arg6: memref<1024x128xf32, #tpu.memory_space<vmem>>) attributes {dimension_semantics = [#tpu.dimension_semantics<arbitrary>], iteration_bounds = array<i64: 10>, scalar_prefetch = 0 : i64, scratch_operands = 0 : i64, tpu.core_type = #tpu.core_type<tc>, window_params = [{transform_indices = @transform_0, window_bounds = array<i64: 2, 1024, 128>}, {transform_indices = @transform_1, window_bounds = array<i64: 1024, 128>}, {transform_indices = @transform_2, window_bounds = array<i64: 1024, 128>}, {pipeline_mode = #tpu.pipeline_mode<synchronous>, transform_indices = @transform_3, window_bounds = array<i64: 1, 128>}, {pipeline_mode = #tpu.pipeline_mode<synchronous>, transform_indices = @transform_4, window_bounds = array<i64: 128, 128>}, {transform_indices = @transform_5, window_bounds = array<i64: 1024, 128>}]} {
    %get3A = arith.constant 0 : index
    %get3A_0 = arith.constant 0 : index
    %get3A_1 = arith.constant 0 : index
    %get3A_2 = vector.load %arg1[%get3A, %get3A_0, %get3A_1] : memref<2x1024x128xf32, #tpu.memory_space<vmem>>, vector<1x1024x128xf32>
    %get3A_3 = vector.shape_cast %get3A_2 : vector<1x1024x128xf32> to vector<1024x128xf32>
    %get3A_4 = arith.constant 1 : index
    %get3A_5 = arith.constant 0 : index
    %get3A_6 = arith.constant 0 : index
    %get3A_7 = vector.load %arg1[%get3A_4, %get3A_5, %get3A_6] : memref<2x1024x128xf32, #tpu.memory_space<vmem>>, vector<1x1024x128xf32>
    %get3A_8 = vector.shape_cast %get3A_7 : vector<1x1024x128xf32> to vector<1024x128xf32>
    %add3A = arith.addf %get3A_3, %get3A_8 : vector<1024x128xf32>
    %get3A_9 = arith.constant 0 : index
    %get3A_10 = arith.constant 0 : index
    %get3A_11 = vector.load %arg2[%get3A_9, %get3A_10] : memref<1024x128xf32, #tpu.memory_space<vmem>>, vector<1024x128xf32>
    %add3A_12 = arith.addf %add3A, %get3A_11 : vector<1024x128xf32>
    %get3A_13 = arith.constant 0 : index
    %get3A_14 = arith.constant 0 : index
    %get3A_15 = vector.load %arg3[%get3A_13, %get3A_14] : memref<1024x128xf32, #tpu.memory_space<vmem>>, vector<1024x128xf32>
    %mul3A = arith.mulf %add3A_12, %get3A_15 : vector<1024x128xf32>
    %get3A_16 = arith.constant 0 : index
    %get3A_17 = arith.constant 0 : index
    %get3A_18 = vector.load %arg4[%get3A_16, %get3A_17] : memref<1x128xf32, #tpu.memory_space<vmem>>, vector<1x128xf32>
    %add3A_19 = vector.broadcast %get3A_18 : vector<1x128xf32> to vector<1024x128xf32>
    %add3A_20 = arith.addf %mul3A, %add3A_19 : vector<1024x128xf32>
    %max3A = arith.constant 0.000000e+00 : f32
    %max3A_21 = vector.broadcast %max3A : f32 to vector<1024x128xf32>
    %max3A_22 = arith.maximumf %add3A_20, %max3A_21 : vector<1024x128xf32>
    %get3A_23 = arith.constant 0 : index
    %get3A_24 = arith.constant 0 : index
    %get3A_25 = vector.load %arg5[%get3A_23, %get3A_24] : memref<128x128xf32, #tpu.memory_space<vmem>>, vector<128x128xf32>
    %dot_general3A = arith.constant dense<0.000000e+00> : vector<1024x128xf32>
    %dot_general3A_26 = tpu.matmul %max3A_22, %get3A_25, %dot_general3A {dimension_numbers = #tpu.dot_dimension_numbers<[1], [0], [0], [1], [0, 0, 1, 1], [], []>, transpose_lhs_hint = false} : vector<1024x128xf32>, vector<128x128xf32>, vector<1024x128xf32> -> vector<1024x128xf32>
    %mul3A_27 = arith.mulf %dot_general3A_26, %get3A_15 : vector<1024x128xf32>
    %swap3A = arith.constant 0 : index
    %swap3A_28 = arith.constant 0 : index
    %swap3A_29 = vector.load %arg6[%swap3A, %swap3A_28] : memref<1024x128xf32, #tpu.memory_space<vmem>>, vector<1024x128xf32>
    tpu.vector_store %arg6[%swap3A, %swap3A_28], %mul3A_27 {strides = array<i32>} : memref<1024x128xf32, #tpu.memory_space<vmem>>, vector<1024x128xf32>,
    return
  }
  func.func @transform_0(%arg0: i32) -> (i32, i32, i32) {
    %c0_i32 = arith.constant 0 : i32
    %c0_i32_0 = arith.constant 0 : i32
    %c0_i32_1 = arith.constant 0 : i32
    return %c0_i32, %arg0, %c0_i32_0 : i32, i32, i32
  }
  func.func @transform_1(%arg0: i32) -> (i32, i32) {
    %c0_i32 = arith.constant 0 : i32
    %c0_i32_0 = arith.constant 0 : i32
    return %arg0, %c0_i32 : i32, i32
  }
  func.func @transform_2(%arg0: i32) -> (i32, i32) {
    %c0_i32 = arith.constant 0 : i32
    %c0_i32_0 = arith.constant 0 : i32
    return %arg0, %c0_i32 : i32, i32
  }
  func.func @transform_3(%arg0: i32) -> (i32, i32) {
    %c0_i32 = arith.constant 0 : i32
    %c0_i32_0 = arith.constant 0 : i32
    %c0_i32_1 = arith.constant 0 : i32
    return %c0_i32, %c0_i32_0 : i32, i32
  }
  func.func @transform_4(%arg0: i32) -> (i32, i32) {
    %c0_i32 = arith.constant 0 : i32
    %c0_i32_0 = arith.constant 0 : i32
    %c0_i32_1 = arith.constant 0 : i32
    return %c0_i32, %c0_i32_0 : i32, i32
  }
  func.func @transform_5(%arg0: i32) -> (i32, i32) {
    %c0_i32 = arith.constant 0 : i32
    %c0_i32_0 = arith.constant 0 : i32
    return %arg0, %c0_i32 : i32, i32
  }
}

module attributes {stable_mosaic.version = 14 : i64} {
  func.func @_last_body(%arg0: i32, %arg1: memref<2x1024x128xf32, #tpu.memory_space<vmem>>, %arg2: memref<1024x128xf32, #tpu.memory_space<vmem>>, %arg3: memref<1024x128xf32, #tpu.memory_space<vmem>>, %arg4: memref<1x128xf32, #tpu.memory_space<vmem>>, %arg5: memref<1024x128xf32, #tpu.memory_space<vmem>>) attributes {dimension_semantics = [#tpu.dimension_semantics<arbitrary>], iteration_bounds = array<i64: 10>, scalar_prefetch = 0 : i64, scratch_operands = 0 : i64, tpu.core_type = #tpu.core_type<tc>, window_params = [{transform_indices = @transform_0, window_bounds = array<i64: 2, 1024, 128>}, {transform_indices = @transform_1, window_bounds = array<i64: 1024, 128>}, {transform_indices = @transform_2, window_bounds = array<i64: 1024, 128>}, {pipeline_mode = #tpu.pipeline_mode<synchronous>, transform_indices = @transform_3, window_bounds = array<i64: 1, 128>}, {transform_indices = @transform_4, window_bounds = array<i64: 1024, 128>}]} {
    %get3A = arith.constant 0 : index
    %get3A_0 = arith.constant 0 : index
    %get3A_1 = arith.constant 0 : index
    %get3A_2 = vector.load %arg1[%get3A, %get3A_0, %get3A_1] : memref<2x1024x128xf32, #tpu.memory_space<vmem>>, vector<1x1024x128xf32>
    %get3A_3 = vector.shape_cast %get3A_2 : vector<1x1024x128xf32> to vector<1024x128xf32>
    %get3A_4 = arith.constant 1 : index
    %get3A_5 = arith.constant 0 : index
    %get3A_6 = arith.constant 0 : index
    %get3A_7 = vector.load %arg1[%get3A_4, %get3A_5, %get3A_6] : memref<2x1024x128xf32, #tpu.memory_space<vmem>>, vector<1x1024x128xf32>
    %get3A_8 = vector.shape_cast %get3A_7 : vector<1x1024x128xf32> to vector<1024x128xf32>
    %add3A = arith.addf %get3A_3, %get3A_8 : vector<1024x128xf32>
    %get3A_9 = arith.constant 0 : index
    %get3A_10 = arith.constant 0 : index
    %get3A_11 = vector.load %arg2[%get3A_9, %get3A_10] : memref<1024x128xf32, #tpu.memory_space<vmem>>, vector<1024x128xf32>
    %add3A_12 = arith.addf %add3A, %get3A_11 : vector<1024x128xf32>
    %get3A_13 = arith.constant 0 : index
    %get3A_14 = arith.constant 0 : index
    %get3A_15 = vector.load %arg3[%get3A_13, %get3A_14] : memref<1024x128xf32, #tpu.memory_space<vmem>>, vector<1024x128xf32>
    %mul3A = arith.mulf %add3A_12, %get3A_15 : vector<1024x128xf32>
    %get3A_16 = arith.constant 0 : index
    %get3A_17 = arith.constant 0 : index
    %get3A_18 = vector.load %arg4[%get3A_16, %get3A_17] : memref<1x128xf32, #tpu.memory_space<vmem>>, vector<1x128xf32>
    %add3A_19 = vector.broadcast %get3A_18 : vector<1x128xf32> to vector<1024x128xf32>
    %add3A_20 = arith.addf %mul3A, %add3A_19 : vector<1024x128xf32>
    %swap3A = arith.constant 0 : index
    %swap3A_21 = arith.constant 0 : index
    %swap3A_22 = vector.load %arg5[%swap3A, %swap3A_21] : memref<1024x128xf32, #tpu.memory_space<vmem>>, vector<1024x128xf32>
    tpu.vector_store %arg5[%swap3A, %swap3A_21], %add3A_20 {strides = array<i32>} : memref<1024x128xf32, #tpu.memory_space<vmem>>, vector<1024x128xf32>,
    return
  }
  func.func @transform_0(%arg0: i32) -> (i32, i32, i32) {
    %c0_i32 = arith.constant 0 : i32
    %c0_i32_0 = arith.constant 0 : i32
    %c0_i32_1 = arith.constant 0 : i32
    return %c0_i32, %arg0, %c0_i32_0 : i32, i32, i32
  }
  func.func @transform_1(%arg0: i32) -> (i32, i32) {
    %c0_i32 = arith.constant 0 : i32
    %c0_i32_0 = arith.constant 0 : i32
    return %arg0, %c0_i32 : i32, i32
  }
  func.func @transform_2(%arg0: i32) -> (i32, i32) {
    %c0_i32 = arith.constant 0 : i32
    %c0_i32_0 = arith.constant 0 : i32
    return %arg0, %c0_i32 : i32, i32
  }
  func.func @transform_3(%arg0: i32) -> (i32, i32) {
    %c0_i32 = arith.constant 0 : i32
    %c0_i32_0 = arith.constant 0 : i32
    %c0_i32_1 = arith.constant 0 : i32
    return %c0_i32, %c0_i32_0 : i32, i32
  }
  func.func @transform_4(%arg0: i32) -> (i32, i32) {
    %c0_i32 = arith.constant 0 : i32
    %c0_i32_0 = arith.constant 0 : i32
    return %arg0, %c0_i32 : i32, i32
  }
}

</mosaic_0001>

<sc_bundles>
// kernel: kernel.10.cloned.1.call-start
scs
__scs_entry_jumppad:
0x0: {  	(pc) =	sbr.rel $0x88, $3  }
0x1: {  	(tag) =	ssettag $0x0;
	lr =	simm.s32 $0x1  }
0x2: {  	[smem:$0x3F99] =	sst lr;
	_ =	strace $0xD0000000  }
0x3: {  	_ = 	snop  }
0x4: {  	_ = 	snop  }
0x5: {  	_ = 	snop  }
0x6: {  	_ = 	snop  }
0x7: {  	_ = 	snop  }
__scs_overlays_trampoline_lowered:
0x8: {  	[smem:$0x3FA8] =	sst s0  }
0x9: {  	[smem:$0x3FA9] =	sst s1  }
0xa: {  	[smem:$0x3FAA] =	sst s2  }
0xb: {  	[smem:$0x3FAB] =	sst s3  }
0xc: {  	[smem:$0x3FAC] =	sst s4  }
0xd: {  	[smem:$0x3FAD] =	sst s5  }
0xe: {  	[smem:$0x3FAE] =	sst s6  }
0xf: {  	[smem:$0x3FAF] =	sst s7  }
0x10: {  	[smem:$0x3FB0] =	sst s8  }
0x11: {  	[smem:$0x3FB1] =	sst s9;
	s0 =	simm.s32 @!p0 $0x0  }
0x12: {  	s1 =	sld [smem:$0x3F97];
	s0 =	simm.s32 @p0 $0x1  }
0x13: {  	[smem:$0x3FB2] =	sst s0;
	s0 =	simm.s32 @!p1 $0x0  }
0x14: {  	s2 =	sld [smem:$0x3F96];
	s0 =	simm.s32 @p1 $0x1  }
0x15: {  	[smem:$0x3FB3] =	sst s0;
	s0 =	simm.s32 @!p2 $0x0  }
0x16: {  	s3 =	sld [smem:$0x3FDB];
	s0 =	simm.s32 @p2 $0x1  }
0x17: {  	s4 =	simm.s32 $0x1BF5;
	[smem:$0x3FB5] =	sst s0  }
0x18: {  	s0 =	sld [smem:$0x3F98];
	_ =	swait.ge [sflag:s4], $0x0  }
0x19: {  	s7 =	sld [smem:$0x3F99]  }
0x1a: {  	s8 =	sadd.s32 $0xFFFFE003, lr  }
0x1b: {  	s9 =	sadd.s32 $0xFFFFFEF7, lr;
	s5 =	simm.s32 $0xFFFFFFFF;
	p2 =	slt.u32 s8, $0xFFFFF086  }
0x1c: {  	p1 =	slt.u32 s9, $0xF7A;
	s5 =	simm.s32 @!p2 $0x0  }
0x1d: {  	s5 =	simm.s32 @p1 $0x1;
	p0 =	seq.s32 s7, s2  }
0x1e: {  	s7 =	smul.u32 @!p0 $0xF7A, s2;
	p2 =	seq.s32 @!p0 s5, $0x0  }
0x1f: {  	s9 =	smul.u32 $0xF7A, s1;
	s8 =	simm.s32 @!p0 $0x1BF5;
	p2 =	por !p2, p0  }
0x20: {  	[sflag:s8] =	ssyncset.s32 @!p0 $0xFFFFF086;
	s6 =	sadd.s32 @!p0 s3, s7;
	s7 =	simm.s32 @!p0 $0x108  }
0x21: {  	s3 =	sadd.s32 s3, s9;
	s6 =	sadd.s32 @!p0 $0x88, s6;
	s7 =	simm.s32 @p2 $0x1082  }
0x22: {  	[simem:s7], [sflag:s8] =	dma.local @!p0 [hbm:s6], $0xF7A  }
0x23: {  	s9 =	sor.u32 $0xD0000000, s2;
	s6 =	simm.s32 $0x108;
	_ =	swait.ge @!p0 [sflag:s8], $0x0  }
0x24: {  	s3 =	sadd.s32 $0x88, s3;
	s6 =	simm.s32 @!p1 $0x1082;
	[sflag:s4] =	ssyncset.s32 $0xFFFFF086  }
0x25: {  	[simem:s6], [sflag:s4] =	dma.local [hbm:s3], $0xF7A  }
0x26: {  	[smem:$0x3F99] =	sst s1;
	(tag) =	ssettag s2;
	_ =	strace s9  }
0x27: {  	s1 =	sld [smem:$0x3FA9]  }
0x28: {  	s2 =	sld [smem:$0x3FAA]  }
0x29: {  	s4 =	sld [smem:$0x3FAC]  }
0x2a: {  	p0 =	seq.s32 s5, $0x0;
	s5 =	sld [smem:$0x3FAD]  }
0x2b: {  	s6 =	sld [smem:$0x3FAE]  }
0x2c: {  	s7 =	sld [smem:$0x3FAF]  }
0x2d: {  	s3 =	simm.s32 $0x108;
	s8 =	sld [smem:$0x3FB0]  }
0x2e: {  	s3 =	simm.s32 @!p0 $0x1082;
	s9 =	sld [smem:$0x3FB1]  }
0x2f: {  	lr =	sadd.s32 s0, s3;
	s0 =	sld [smem:$0x3FA8]  }
0x30: {  	s3 =	sld [smem:$0x3FAB]  }
0x31: {  	[smem:$0x3FB4] =	sst s10  }
0x32: {  	s10 =	sld [smem:$0x3FB2];
	_ =	sdelay $0x3  }
0x33: {  	p0 =	seq.s32 s10, $0x1;
	s10 =	sld [smem:$0x3FB4];
	_ =	sdelay $0x3  }
0x34: {  	[smem:$0x3FB4] =	sst s10  }
0x35: {  	s10 =	sld [smem:$0x3FB3];
	_ =	sdelay $0x3  }
0x36: {  	p1 =	seq.s32 s10, $0x1;
	s10 =	sld [smem:$0x3FB4];
	_ =	sdelay $0x3  }
0x37: {  	[smem:$0x3FB4] =	sst s10  }
0x38: {  	s10 =	sld [smem:$0x3FB5]  }
0x39: {  	_ = 	snop;
	(pc) =	sbr.ind lr, $3  }
0x3a: {  	_ = 	snop  }
0x3b: {  	_ = 	snop  }
0x3c: {  	p2 =	seq.s32 s10, $0x1;
	s10 =	sld [smem:$0x3FB4]  }
0x3d: {  	_ =	shalt  }
0x3e: {  	_ =	shalt  }
0x3f: {  	_ =	shalt  }
0x40: {  	_ =	shalt  }
0x41: {  	_ =	shalt  }
0x42: {  	_ =	shalt  }
0x43: {  	_ =	shalt  }
0x44: {  	_ =	shalt  }
0x45: {  	_ =	shalt  }
0x46: {  	_ =	shalt  }
0x47: {  	_ =	shalt  }
0x48: {  	_ =	shalt  }
0x49: {  	_ =	shalt  }
0x4a: {  	_ =	shalt  }
0x4b: {  	_ =	shalt  }
0x4c: {  	_ =	shalt  }
0x4d: {  	_ =	shalt  }
0x4e: {  	_ =	shalt  }
0x4f: {  	_ =	shalt  }
0x50: {  	_ =	shalt  }
0x51: {  	_ =	shalt  }
0x52: {  	_ =	shalt  }
0x53: {  	_ =	shalt  }
0x54: {  	_ =	shalt  }
0x55: {  	_ =	shalt  }
0x56: {  	_ =	shalt  }
0x57: {  	_ =	shalt  }
0x58: {  	_ =	shalt  }
0x59: {  	_ =	shalt  }
0x5a: {  	_ =	shalt  }
0x5b: {  	_ =	shalt  }
0x5c: {  	_ =	shalt  }
0x5d: {  	_ =	shalt  }
0x5e: {  	_ =	shalt  }
0x5f: {  	_ =	shalt  }
0x60: {  	_ =	shalt  }
0x61: {  	_ =	shalt  }
0x62: {  	_ =	shalt  }
0x63: {  	_ =	shalt  }
0x64: {  	_ =	shalt  }
0x65: {  	_ =	shalt  }
0x66: {  	_ =	shalt  }
0x67: {  	_ =	shalt  }
0x68: {  	_ =	shalt  }
0x69: {  	_ =	shalt  }
0x6a: {  	_ =	shalt  }
0x6b: {  	_ =	shalt  }
0x6c: {  	_ =	shalt  }
0x6d: {  	_ =	shalt  }
0x6e: {  	_ =	shalt  }
0x6f: {  	_ =	shalt  }
0x70: {  	_ =	shalt  }
0x71: {  	_ =	shalt  }
0x72: {  	_ =	shalt  }
0x73: {  	_ =	shalt  }
0x74: {  	_ =	shalt  }
0x75: {  	_ =	shalt  }
0x76: {  	_ =	shalt  }
0x77: {  	_ =	shalt  }
0x78: {  	_ =	shalt  }
0x79: {  	_ =	shalt  }
0x7a: {  	_ =	shalt  }
0x7b: {  	_ =	shalt  }
0x7c: {  	_ =	shalt  }
0x7d: {  	_ =	shalt  }
0x7e: {  	_ =	shalt  }
0x7f: {  	_ =	shalt  }
0x80: {  	_ =	shalt  }
0x81: {  	_ =	shalt  }
0x82: {  	_ =	shalt  }
0x83: {  	_ =	shalt  }
0x84: {  	_ =	shalt  }
0x85: {  	_ =	shalt  }
0x86: {  	_ =	shalt  }
0x87: {  	_ =	shalt  }
.Lfunc_end0:
.L_simem_size_0:
called_computation_lowered:
.L_overlay_start_0:
0x88: {  	s2 =	sld [smem:$0x3FD9]  }
0x89: {  	s3 =	sld [smem:$0x3FFE];
	_ =	sdelay $0x1  }
0x8a: {  	s1 =	srdreg.scid  }
0x8b: {  	s0 =	sand.u32 $0x1, s1  }
0x8c: {  	s16 =	sshll.u32 s0, $0xA;
	s2 =	sadd.s32 s3, s2  }
0x8d: {  	s2 =	sadd.s32 s2, s16  }
0x8e: {  	[smem:$0x3FC0] =	sst s2  }
0x8f: {  	_ = 	snop  }
0x90: {  	(tm) =	ssettm $0x1  }
0x91: {  	s17 =	sld [smem:$0x3FFB];
	_ =	sdelay $0x3  }
0x92: {  	_ =	strace s17  }
0x93: {  	s2 =	sld [smem:$0x3FFC];
	_ =	sdelay $0x3  }
0x94: {  	_ =	strace s2  }
0x95: {  	s2 =	sld [smem:$0x3FFD];
	_ =	sdelay $0x3  }
0x96: {  	_ =	strace s2  }
0x97: {  	_ =	strace $0x8FFFFFFF  }
0x98: {  	s18 =	sld [smem:$0x3FDB];
	_ =	sdelay $0x1  }
0x99: {  	s19 =	simm.s32 $_scs_section_size  }
0x9a: {  	s4 =	simm.s32 $_size__tile_overlayer_lowered;
	s5 =	simm.s32 $_tile_overlayer_lowered  }
0x9b: {  	s22 =	simm.s32 $0x1BFF;
	s21 =	sshll.u32 s5, $0x1;
	s2 =	sadd.s32 s19, s18  }
0x9c: {  	s6 =	simm.s32 $0x0;
	s20 =	sshll.u32 s4, $0x1;
	s4 =	sadd.s32 s21, s2  }
0x9d: {  	[timem:s6], [sflag:s22] =	dma.local [hbm:s4], s20  }
0x9e: {  	_ =	swait.ge [sflag:s22], s20  }
0x9f: {  	s3 =	ssub.s32 $0x0, s20;
	[sflag:s22] =	ssyncset.done $0x0  }
0xa0: {  	[sflag:s22] =	ssyncadd.s32 s3;
	_ =	sdelay $0x1  }
0xa1: {  	s23 =	simm.s32 $0x1B8B  }
0xa2: {  	_ =	swait.ge [sflag:s23], $0x1  }
0xa3: {  	[sflag:s23] =	ssyncset.done $0x0  }
0xa4: {  	s25 =	simm.s32 $0x1B8E;
	s24 =	sld [smem:$0x3FFE];
	[sflag:s23] =	ssyncadd.s32 $0xFFFFFFFF  }
0xa5: {  	s26 =	simm.s32 $execute0_lowered;
	[smem:$0x3FD2] =	sst s25  }
0xa6: {  	s4 =	sshll.u32 s26, $0x1;
	_ =	strace $0x80000046;
	[dreg:$0x1] =	wrdreg $0xFFFFFFFF  }
0xa7: {  	s28 =	simm.s32 $_size_execute0_lowered;
	s2 =	sadd.s32 s2, s4;
	[dreg:$0x0] =	wrdreg $0x0  }
0xa8: {  	s4 =	sshll.u32 s28, $0x1;
	[dreg:$0x2] =	wrdreg s2  }
0xa9: {  	[dreg:$0x3] =	wrdreg s4  }
0xaa: {  	[dreg:$0x4] =	wrdreg $0xC0  }
0xab: {  	_ =	task [dreg:s6], $0x5FFFF  }
0xac: {  	[dreg:$0x1] =	wrdreg $0xFFFFFFFF  }
0xad: {  	[dreg:$0x0] =	wrdreg $0x60  }
0xae: {  	[dreg:$0x2] =	wrdreg s24  }
0xaf: {  	[dreg:$0x3] =	wrdreg $0x68000  }
0xb0: {  	[dreg:$0x4] =	wrdreg $0x9  }
0xb1: {  	_ =	task.clear_ibuf [dreg:s6], $0x5FFFF;
	_ =	strace $0x90000046  }
0xb2: {  	s29 =	simm.s32 $0x9;
	_ =	strace $0x80000048  }
0xb3: {  	_ =	swait.ge [sflag:s29], $0x1  }
0xb4: {  	[sflag:s29] =	ssyncadd.s32 $0xFFFFFFFF  }
0xb5: {  	_ =	strace $0x90000048  }
0xb6: {  	_ =	sfence  }
0xb7: {  	s30 =	sld [smem:$0x0];
	_ =	sdelay $0x2  }
0xb8: {  	s31 =	sshll.u32 s1, $0xD;
	s1 =	sshrl.u32 s1, $0x2  }
0xb9: {  	s3 =	sand.u32 $0x4000, s31;
	s1 =	sadd.s32 s1, s30  }
0xba: {  	s0 =	sor.u32 s3, s0;
	s1 =	sshll.u32 s1, $0x11  }
0xbb: {  	s0 =	sor.u32 s1, s0  }
0xbc: {  	s0 =	sadd.s32 $0x8F2B, s0  }
0xbd: {  	[sflag:s0] =	ssyncadd.remote.s32 $0x1  }
0xbe: {  	_ =	sfence.sel $0xFFFF  }
0xbf: {  	[dreg:$0x0] =	wrdreg $0xFFFFFFFF;
	(pc) =	sbr.abs _section_cstart, $3  }
0xc0: {  	[dreg:$0x1] =	wrdreg $0xFFFFFFFF  }
0xc1: {  	_ =	task.clear_ibuf [dreg:s6], $0x2FFFF;
	_ =	strace $0x9FFFFFFF  }
0xc2: {  	(tm) =	ssettm $0x7FFFFFFF  }
0xc3: {  	_ =	shalt  }
tec
execute0_lowered:
.L_overlay_start_1:
0x0: {  	(tag) =	ssettag $0x1  }
0x1: {  	s0 =	srdreg.scid;
	s5 =	rddreg [dreg:$0x0]  }
0x2: {  	s2 =	rddreg [dreg:$0x1];
	s4 =	sand.u32 $0x1, s0  }
0x3: {  	s3 =	simm.s32 $0x0;
	s0 =	stileid.u32;
	s7 =	smul.u32 $0x140000, s4  }
0x4: {  	s13 =	simm.s32 $0x1;
	s14 =	simm.s32 $0x80;
	s8 =	smul.u32 $0x14000, s0  }
0x5: {  	[smem:$0x7FF] =	sst s3;
	s1 =	sshll.u32 s4, $0x4;
	s9 =	smul.u32 $0x50000, s0  }
0x6: {  	s29 =	ssub.s32 $0x2, s4;
	s15 =	sshll.u32 s0, $0x6;
	s1 =	sor.u32 s0, s1  }
0x7: {  	s31 =	sshrl.u32 s29, $0x1;
	s15 =	sor.u32 $0x1C01, s15;
	s6 =	smul.u32 $0x500, s1  }
0x8: {  	s1 =	rddreg [dreg:$0x2];
	_ =	strace $0x80000047;
	s30 =	sshrl.u32 s9, $0x2  }
0x9: {  	s28 =	sadd.s32 s8, s7;
	s12 =	ssub.s32 s29, s31;
	s4 =	sadd.s32 s30, s2  }
0xa: {  	s10 =	sadd.s32 s6, s5;
	s6 =	sshrl.u32 s28, $0x3;
	s7 =	sadd.s32 $0xC000, s4  }
0xb: {  	s8 =	sadd.s32 $0x10000, s4;
	s16 =	sshrl.u32 s4, $0x3;
	s11 =	sadd.s32 s6, s5  }
0xc: {  	s5 =	sadd.s32 $0x4000, s4;
	s6 =	sadd.s32 $0x8000, s4;
	s9 =	sadd.s32 $0x3200, s10  }
0xd: {  	v0 =	vimm.f32 $0.0e+00;
	v1 =	vimm.f32 $1.000000000e+00;
	s10 =	sadd.s32 $0xD200, s11;
	s11 =	smax.u32 s12, $0x1;
	s12 =	simm.s32 $0x2800  }
.LBB2_1:
0xe: {  	s17 =	simm.s32 $0x0;
	s18 =	simm.s32 $0x200  }
.LBB2_2:
0xf: {  	p0 =	sne.s32 s18, $0xFE00;
	[tilespmem:s17+$0x2870] =	vst v0  }
0x10: {  	[tilespmem:s17+$0x2800] =	vst v0  }
0x11: {  	[tilespmem:s17+$0x2810] =	vst v0  }
.Ltmp0:
0x12: {  	[tilespmem:s17+$0x2820] =	vst v0;
	(pc) =	sbr.rel @p0 .LBB2_2-.Ltmp0, $4  }
0x13: {  	[tilespmem:s17+$0x2830] =	vst v0  }
0x14: {  	[tilespmem:s17+$0x2840] =	vst v0  }
0x15: {  	[tilespmem:s17+$0x2850] =	vst v0  }
0x16: {  	[tilespmem:s17+$0x2860] =	vst v0;
	s17 =	sshra.s32 s18, $0x2;
	s18 =	sadd.s32 $0x200, s18  }
0x17: {  	[tilespmem:s17+$0x2870] =	vst v0  }
0x18: {  	[tilespmem:s17+$0x2800] =	vst v0  }
0x19: {  	[tilespmem:s17+$0x2810] =	vst v0  }
0x1a: {  	[tilespmem:s17+$0x2820] =	vst v0  }
0x1b: {  	[tilespmem:s17+$0x2830] =	vst v0  }
0x1c: {  	[tilespmem:s17+$0x2840] =	vst v0  }
0x1d: {  	[tilespmem:s17+$0x2850] =	vst v0  }
0x1e: {  	[tilespmem:s17+$0x2860] =	vst v0  }
0x1f: {  	[spmem:s4] =	stream.linear.scatter [tilespmem:s12], [sflag:$0x1], $0x4000, $0x38;
	[tilespmem:$0x1A800] =	vst v63  }
0x20: {  	_ =	swait.ge [sflag:s13], $0x4000  }
0x21: {  	[sflag:s13] =	ssyncset.done $0x0  }
0x22: {  	[sflag:s13] =	ssyncadd.s32 $0xFFFFC000  }
0x23: {  	[spmem:s5] =	stream.linear.scatter [tilespmem:s12], [sflag:$0x1], $0x4000, $0x38;
	[tilespmem:$0x1A800] =	vst v63  }
0x24: {  	_ =	swait.ge [sflag:s13], $0x4000  }
0x25: {  	[sflag:s13] =	ssyncset.done $0x0  }
0x26: {  	[sflag:s13] =	ssyncadd.s32 $0xFFFFC000  }
0x27: {  	[spmem:s6] =	stream.linear.scatter [tilespmem:s12], [sflag:$0x1], $0x4000, $0x38;
	[tilespmem:$0x1A800] =	vst v63  }
0x28: {  	_ =	swait.ge [sflag:s13], $0x4000  }
0x29: {  	[sflag:s13] =	ssyncset.done $0x0  }
0x2a: {  	[sflag:s13] =	ssyncadd.s32 $0xFFFFC000  }
0x2b: {  	[spmem:s7] =	stream.linear.scatter [tilespmem:s12], [sflag:$0x1], $0x4000, $0x38;
	[tilespmem:$0x1A800] =	vst v63  }
0x2c: {  	_ =	swait.ge [sflag:s13], $0x4000  }
0x2d: {  	[sflag:s13] =	ssyncset.done $0x0  }
0x2e: {  	[sflag:s13] =	ssyncadd.s32 $0xFFFFC000  }
0x2f: {  	[spmem:s8] =	stream.linear.scatter [tilespmem:s12], [sflag:$0x1], $0x4000, $0x38;
	[tilespmem:$0x1A800] =	vst v63  }
0x30: {  	_ =	swait.ge [sflag:s13], $0x4000  }
0x31: {  	[sflag:s13] =	ssyncset.done $0x0  }
0x32: {  	s31 =	simm.s32 $0x0;
	[sflag:s13] =	ssyncadd.s32 $0xFFFFC000  }
0x33: {  	[tilespmem:s31], [sflag:$0x1] =	stream.linear.gather [hbm4b:s9+s31], $0x2800, $0x38;
	[tilespmem:$0x1A800] =	vst v63  }
0x34: {  	_ =	swait.ge [sflag:s13], $0x2800  }
0x35: {  	[sflag:s13] =	ssyncset.done $0x0  }
0x36: {  	s17 =	simm.s32 $0x0;
	s18 =	simm.s32 $0x200;
	[sflag:s13] =	ssyncadd.s32 $0xFFFFD800  }
.LBB2_4:
0x37: {  	p0 =	sne.s32 s18, $0xFE00;
	[tilespmem:s17+$0x2870] =	vst v1  }
0x38: {  	[tilespmem:s17+$0x2800] =	vst v1  }
0x39: {  	[tilespmem:s17+$0x2810] =	vst v1  }
.Ltmp1:
0x3a: {  	[tilespmem:s17+$0x2820] =	vst v1;
	(pc) =	sbr.rel @p0 .LBB2_4-.Ltmp1, $4  }
0x3b: {  	[tilespmem:s17+$0x2830] =	vst v1  }
0x3c: {  	[tilespmem:s17+$0x2840] =	vst v1  }
0x3d: {  	[tilespmem:s17+$0x2850] =	vst v1  }
0x3e: {  	[tilespmem:s17+$0x2860] =	vst v1;
	s17 =	sshra.s32 s18, $0x2;
	s18 =	sadd.s32 $0x200, s18  }
0x3f: {  	[tilespmem:s17+$0x2870] =	vst v1  }
0x40: {  	[tilespmem:s17+$0x2800] =	vst v1  }
0x41: {  	[tilespmem:s17+$0x2810] =	vst v1  }
0x42: {  	[tilespmem:s17+$0x2820] =	vst v1  }
0x43: {  	[tilespmem:s17+$0x2830] =	vst v1  }
0x44: {  	[tilespmem:s17+$0x2840] =	vst v1  }
0x45: {  	[tilespmem:s17+$0x2850] =	vst v1  }
0x46: {  	[tilespmem:s17+$0x2860] =	vst v1  }
0x47: {  	s31 =	simm.s32 $0x0;
	[bflag:$0x0] =	sbarrier.arrive $0xFFFF  }
0x48: {  	[spmem:s2] =	stream.indirect.scatter.add.f32 [tilespmem:s12], [sflag:$0x1], $0x80, s31, s14, $0xb8;
	[tilespmem:$0x1A800] =	vst v63  }
0x49: {  	_ =	swait.ge [sflag:s13], $0x4000  }
0x4a: {  	s17 =	simm.s32 $0x200;
	[sflag:s13] =	ssyncset.done $0x0  }
.LBB2_6:
0x4b: {  	s18 =	sshra.s32 s17, $0x2;
	[sflag:s13] =	ssyncadd.s32 $0xFFFFC000;
	p0 =	sne.s32 s17, $0x9E00  }
0x4c: {  	[spmem:s2] =	stream.indirect.scatter.add.f32 [tilespmem:s12], [sflag:$0x1], $0x80, s18, s14, $0xb8;
	[tilespmem:$0x1A800] =	vst v63  }
.Ltmp2:
0x4d: {  	_ = 	snop;
	(pc) =	sbr.rel @p0 .LBB2_6-.Ltmp2, $4  }
0x4e: {  	_ = 	snop  }
0x4f: {  	s17 =	sadd.s32 $0x200, s17  }
0x50: {  	_ =	swait.ge [sflag:s13], $0x4000  }
0x51: {  	[sflag:s13] =	ssyncset.done $0x0  }
0x52: {  	s3 =	sadd.s32 $0x1, s3  }
0x53: {  	[sflag:s13] =	ssyncadd.s32 $0xFFFFC000;
	p0 =	sne.s32 s3, s11  }
.Ltmp3:
0x54: {  	[bflag:$0x0] =	sbarrier.arrive $0xFFFF;
	(pc) =	sbr.rel @p0 .LBB2_1-.Ltmp3, $4  }
0x55: {  	[hbm:s10], [sflag:s15] =	dma.local [spmem:s16], $0x2800  }
0x56: {  	_ =	swait.ge [sflag:s13], $0x2800  }
0x57: {  	[sflag:s13] =	ssyncset.done $0x0  }
0x58: {  	[sflag:s13] =	ssyncadd.s32 $0xFFFFD800  }
0x59: {  	_ =	sfence.sel $0x180000  }
0x5a: {  	[bflag:$0x0] =	sbarrier.arrive $0xFFFF  }
0x5b: {  	p0 =	sne.s32 s0, $0x0;
	_ =	strace $0x90000047  }
0x5c: {  	s0 =	sadd.s32 @!p0 $0x100000, s1;
	[bflag:$0x2] =	sbarrier.arrive $0xFFFF  }
0x5d: {  	[sflag:s0] =	ssyncadd.tile.s32 @!p0 $0x1;
	_ =	shalt  }
.Lfunc_end2:
_tile_overlayer_lowered:
.L_overlay_start_2:
0x5e: {  	(tag) =	ssettag $0x2  }
0x5f: {  	s0 =	rddreg [dreg:$0x0];
	s2 =	stileid.u32  }
0x60: {  	s1 =	rddreg [dreg:$0x1];
	p0 =	sne.s32 s2, $0x0  }
0x61: {  	s3 =	rddreg [dreg:$0x2];
	[bflag:$0x3] =	sbarrier.arrive $0xFFFF;
	s2 =	simm.s32 @!p0 $0x1C01  }
0x62: {  	[timem:s3], [sflag:s2] =	dma.local @!p0 [hbm:s0], s1  }
0x63: {  	s0 =	simm.s32 @!p0 $0x1  }
0x64: {  	_ =	swait.ge @!p0 [sflag:s0], s1  }
0x65: {  	s1 =	ssub.s32 @!p0 $0x0, s1;
	[sflag:s0] =	ssyncset.done @!p0 $0x0  }
0x66: {  	[sflag:s0] =	ssyncadd.s32 @!p0 s1  }
0x67: {  	[bflag:$0x3] =	sbarrier.arrive $0xFFFF  }
0x68: {  	_ =	shalt  }

// kernel: kernel.13.cloned.1.call-start
scs
__scs_entry_jumppad:
0x0: {  	(pc) =	sbr.rel $0x88, $3  }
0x1: {  	(tag) =	ssettag $0x0;
	lr =	simm.s32 $0x1  }
0x2: {  	[smem:$0x3F99] =	sst lr;
	_ =	strace $0xD0000000  }
0x3: {  	_ = 	snop  }
0x4: {  	_ = 	snop  }
0x5: {  	_ = 	snop  }
0x6: {  	_ = 	snop  }
0x7: {  	_ = 	snop  }
__scs_overlays_trampoline_lowered:
0x8: {  	[smem:$0x3FA8] =	sst s0  }
0x9: {  	[smem:$0x3FA9] =	sst s1  }
0xa: {  	[smem:$0x3FAA] =	sst s2  }
0xb: {  	[smem:$0x3FAB] =	sst s3  }
0xc: {  	[smem:$0x3FAC] =	sst s4  }
0xd: {  	[smem:$0x3FAD] =	sst s5  }
0xe: {  	[smem:$0x3FAE] =	sst s6  }
0xf: {  	[smem:$0x3FAF] =	sst s7  }
0x10: {  	[smem:$0x3FB0] =	sst s8  }
0x11: {  	[smem:$0x3FB1] =	sst s9;
	s0 =	simm.s32 @!p0 $0x0  }
0x12: {  	s1 =	sld [smem:$0x3F97];
	s0 =	simm.s32 @p0 $0x1  }
0x13: {  	[smem:$0x3FB2] =	sst s0;
	s0 =	simm.s32 @!p1 $0x0  }
0x14: {  	s2 =	sld [smem:$0x3F96];
	s0 =	simm.s32 @p1 $0x1  }
0x15: {  	[smem:$0x3FB3] =	sst s0;
	s0 =	simm.s32 @!p2 $0x0  }
0x16: {  	s3 =	sld [smem:$0x3FDB];
	s0 =	simm.s32 @p2 $0x1  }
0x17: {  	s4 =	simm.s32 $0x1BF5;
	[smem:$0x3FB5] =	sst s0  }
0x18: {  	s0 =	sld [smem:$0x3F98];
	_ =	swait.ge [sflag:s4], $0x0  }
0x19: {  	s7 =	sld [smem:$0x3F99]  }
0x1a: {  	s8 =	sadd.s32 $0xFFFFE003, lr  }
0x1b: {  	s9 =	sadd.s32 $0xFFFFFEF7, lr;
	s5 =	simm.s32 $0xFFFFFFFF;
	p2 =	slt.u32 s8, $0xFFFFF086  }
0x1c: {  	p1 =	slt.u32 s9, $0xF7A;
	s5 =	simm.s32 @!p2 $0x0  }
0x1d: {  	s5 =	simm.s32 @p1 $0x1;
	p0 =	seq.s32 s7, s2  }
0x1e: {  	s7 =	smul.u32 @!p0 $0xF7A, s2;
	p2 =	seq.s32 @!p0 s5, $0x0  }
0x1f: {  	s9 =	smul.u32 $0xF7A, s1;
	s8 =	simm.s32 @!p0 $0x1BF5;
	p2 =	por !p2, p0  }
0x20: {  	[sflag:s8] =	ssyncset.s32 @!p0 $0xFFFFF086;
	s6 =	sadd.s32 @!p0 s3, s7;
	s7 =	simm.s32 @!p0 $0x108  }
0x21: {  	s3 =	sadd.s32 s3, s9;
	s6 =	sadd.s32 @!p0 $0x88, s6;
	s7 =	simm.s32 @p2 $0x1082  }
0x22: {  	[simem:s7], [sflag:s8] =	dma.local @!p0 [hbm:s6], $0xF7A  }
0x23: {  	s9 =	sor.u32 $0xD0000000, s2;
	s6 =	simm.s32 $0x108;
	_ =	swait.ge @!p0 [sflag:s8], $0x0  }
0x24: {  	s3 =	sadd.s32 $0x88, s3;
	s6 =	simm.s32 @!p1 $0x1082;
	[sflag:s4] =	ssyncset.s32 $0xFFFFF086  }
0x25: {  	[simem:s6], [sflag:s4] =	dma.local [hbm:s3], $0xF7A  }
0x26: {  	[smem:$0x3F99] =	sst s1;
	(tag) =	ssettag s2;
	_ =	strace s9  }
0x27: {  	s1 =	sld [smem:$0x3FA9]  }
0x28: {  	s2 =	sld [smem:$0x3FAA]  }
0x29: {  	s4 =	sld [smem:$0x3FAC]  }
0x2a: {  	p0 =	seq.s32 s5, $0x0;
	s5 =	sld [smem:$0x3FAD]  }
0x2b: {  	s6 =	sld [smem:$0x3FAE]  }
0x2c: {  	s7 =	sld [smem:$0x3FAF]  }
0x2d: {  	s3 =	simm.s32 $0x108;
	s8 =	sld [smem:$0x3FB0]  }
0x2e: {  	s3 =	simm.s32 @!p0 $0x1082;
	s9 =	sld [smem:$0x3FB1]  }
0x2f: {  	lr =	sadd.s32 s0, s3;
	s0 =	sld [smem:$0x3FA8]  }
0x30: {  	s3 =	sld [smem:$0x3FAB]  }
0x31: {  	[smem:$0x3FB4] =	sst s10  }
0x32: {  	s10 =	sld [smem:$0x3FB2];
	_ =	sdelay $0x3  }
0x33: {  	p0 =	seq.s32 s10, $0x1;
	s10 =	sld [smem:$0x3FB4];
	_ =	sdelay $0x3  }
0x34: {  	[smem:$0x3FB4] =	sst s10  }
0x35: {  	s10 =	sld [smem:$0x3FB3];
	_ =	sdelay $0x3  }
0x36: {  	p1 =	seq.s32 s10, $0x1;
	s10 =	sld [smem:$0x3FB4];
	_ =	sdelay $0x3  }
0x37: {  	[smem:$0x3FB4] =	sst s10  }
0x38: {  	s10 =	sld [smem:$0x3FB5]  }
0x39: {  	_ = 	snop;
	(pc) =	sbr.ind lr, $3  }
0x3a: {  	_ = 	snop  }
0x3b: {  	_ = 	snop  }
0x3c: {  	p2 =	seq.s32 s10, $0x1;
	s10 =	sld [smem:$0x3FB4]  }
0x3d: {  	_ =	shalt  }
0x3e: {  	_ =	shalt  }
0x3f: {  	_ =	shalt  }
0x40: {  	_ =	shalt  }
0x41: {  	_ =	shalt  }
0x42: {  	_ =	shalt  }
0x43: {  	_ =	shalt  }
0x44: {  	_ =	shalt  }
0x45: {  	_ =	shalt  }
0x46: {  	_ =	shalt  }
0x47: {  	_ =	shalt  }
0x48: {  	_ =	shalt  }
0x49: {  	_ =	shalt  }
0x4a: {  	_ =	shalt  }
0x4b: {  	_ =	shalt  }
0x4c: {  	_ =	shalt  }
0x4d: {  	_ =	shalt  }
0x4e: {  	_ =	shalt  }
0x4f: {  	_ =	shalt  }
0x50: {  	_ =	shalt  }
0x51: {  	_ =	shalt  }
0x52: {  	_ =	shalt  }
0x53: {  	_ =	shalt  }
0x54: {  	_ =	shalt  }
0x55: {  	_ =	shalt  }
0x56: {  	_ =	shalt  }
0x57: {  	_ =	shalt  }
0x58: {  	_ =	shalt  }
0x59: {  	_ =	shalt  }
0x5a: {  	_ =	shalt  }
0x5b: {  	_ =	shalt  }
0x5c: {  	_ =	shalt  }
0x5d: {  	_ =	shalt  }
0x5e: {  	_ =	shalt  }
0x5f: {  	_ =	shalt  }
0x60: {  	_ =	shalt  }
0x61: {  	_ =	shalt  }
0x62: {  	_ =	shalt  }
0x63: {  	_ =	shalt  }
0x64: {  	_ =	shalt  }
0x65: {  	_ =	shalt  }
0x66: {  	_ =	shalt  }
0x67: {  	_ =	shalt  }
0x68: {  	_ =	shalt  }
0x69: {  	_ =	shalt  }
0x6a: {  	_ =	shalt  }
0x6b: {  	_ =	shalt  }
0x6c: {  	_ =	shalt  }
0x6d: {  	_ =	shalt  }
0x6e: {  	_ =	shalt  }
0x6f: {  	_ =	shalt  }
0x70: {  	_ =	shalt  }
0x71: {  	_ =	shalt  }
0x72: {  	_ =	shalt  }
0x73: {  	_ =	shalt  }
0x74: {  	_ =	shalt  }
0x75: {  	_ =	shalt  }
0x76: {  	_ =	shalt  }
0x77: {  	_ =	shalt  }
0x78: {  	_ =	shalt  }
0x79: {  	_ =	shalt  }
0x7a: {  	_ =	shalt  }
0x7b: {  	_ =	shalt  }
0x7c: {  	_ =	shalt  }
0x7d: {  	_ =	shalt  }
0x7e: {  	_ =	shalt  }
0x7f: {  	_ =	shalt  }
0x80: {  	_ =	shalt  }
0x81: {  	_ =	shalt  }
0x82: {  	_ =	shalt  }
0x83: {  	_ =	shalt  }
0x84: {  	_ =	shalt  }
0x85: {  	_ =	shalt  }
0x86: {  	_ =	shalt  }
0x87: {  	_ =	shalt  }
.Lfunc_end0:
.L_simem_size_0:
called_computation.1_lowered:
.L_overlay_start_0:
0x88: {  	s2 =	sld [smem:$0x3FD9]  }
0x89: {  	s3 =	sld [smem:$0x3FFE];
	_ =	sdelay $0x1  }
0x8a: {  	s1 =	srdreg.scid  }
0x8b: {  	s0 =	sand.u32 $0x1, s1  }
0x8c: {  	s17 =	sshll.u32 s0, $0xA;
	s2 =	sadd.s32 s3, s2  }
0x8d: {  	s2 =	sadd.s32 s2, s17  }
0x8e: {  	[smem:$0x3FC0] =	sst s2  }
0x8f: {  	_ = 	snop  }
0x90: {  	s2 =	sld [smem:$0x3FD0];
	(tm) =	ssettm $0x1  }
0x91: {  	s18 =	sld [smem:$0x3FFB];
	_ =	sdelay $0x3  }
0x92: {  	_ =	strace s18  }
0x93: {  	s3 =	sld [smem:$0x3FFC];
	_ =	sdelay $0x3  }
0x94: {  	_ =	strace s3  }
0x95: {  	s3 =	sld [smem:$0x3FFD];
	_ =	sdelay $0x3  }
0x96: {  	_ =	strace s3  }
0x97: {  	_ =	strace $0x8FFFFFFF  }
0x98: {  	s19 =	sld [smem:$0x3FDB];
	_ =	sdelay $0x1  }
0x99: {  	s4 =	simm.s32 $_scs_section_size  }
0x9a: {  	s5 =	simm.s32 $_size__tile_overlayer_lowered;
	s6 =	simm.s32 $_tile_overlayer_lowered  }
0x9b: {  	s22 =	simm.s32 $0x1BFF;
	s21 =	sshll.u32 s6, $0x1;
	s3 =	sadd.s32 s4, s19  }
0x9c: {  	s7 =	simm.s32 $0x0;
	s20 =	sshll.u32 s5, $0x1;
	s5 =	sadd.s32 s21, s3  }
0x9d: {  	[timem:s7], [sflag:s22] =	dma.local [hbm:s5], s20  }
0x9e: {  	_ =	swait.ge [sflag:s22], s20  }
0x9f: {  	s4 =	ssub.s32 $0x0, s20;
	[sflag:s22] =	ssyncset.done $0x0  }
0xa0: {  	[sflag:s22] =	ssyncadd.s32 s4;
	_ =	sdelay $0x1  }
0xa1: {  	s23 =	simm.s32 $0x1B8B  }
0xa2: {  	_ =	swait.ge [sflag:s23], $0x1  }
0xa3: {  	[sflag:s23] =	ssyncset.done $0x0  }
0xa4: {  	s25 =	simm.s32 $0x1B8E;
	s24 =	sld [smem:$0x3FFE];
	[sflag:s23] =	ssyncadd.s32 $0xFFFFFFFF  }
0xa5: {  	s26 =	simm.s32 $execute0_lowered;
	[smem:$0x3FD2] =	sst s25  }
0xa6: {  	s5 =	sshll.u32 s26, $0x1;
	_ =	strace $0x80000049;
	[dreg:$0x1] =	wrdreg $0xFFFFFFFF  }
0xa7: {  	s28 =	simm.s32 $_size_execute0_lowered;
	s3 =	sadd.s32 s3, s5;
	[dreg:$0x0] =	wrdreg $0x0  }
0xa8: {  	s5 =	sshll.u32 s28, $0x1;
	[dreg:$0x2] =	wrdreg s3  }
0xa9: {  	[dreg:$0x3] =	wrdreg s5  }
0xaa: {  	[dreg:$0x4] =	wrdreg $0xC0  }
0xab: {  	_ =	task [dreg:s7], $0x5FFFF  }
0xac: {  	[dreg:$0x1] =	wrdreg $0xFFFFFFFF  }
0xad: {  	[dreg:$0x0] =	wrdreg $0x60  }
0xae: {  	[dreg:$0x2] =	wrdreg s24  }
0xaf: {  	[dreg:$0x3] =	wrdreg s2  }
0xb0: {  	[dreg:$0x4] =	wrdreg $0x90000  }
0xb1: {  	[dreg:$0x5] =	wrdreg $0x9  }
0xb2: {  	_ =	task.clear_ibuf [dreg:s7], $0x6FFFF;
	_ =	strace $0x90000049  }
0xb3: {  	s29 =	simm.s32 $0x9;
	_ =	strace $0x8000004B  }
0xb4: {  	_ =	swait.ge [sflag:s29], $0x1  }
0xb5: {  	[sflag:s29] =	ssyncadd.s32 $0xFFFFFFFF  }
0xb6: {  	_ =	strace $0x9000004B  }
0xb7: {  	_ =	sfence  }
0xb8: {  	s30 =	sld [smem:$0x0];
	_ =	sdelay $0x2  }
0xb9: {  	s31 =	sshll.u32 s1, $0xD;
	s1 =	sshrl.u32 s1, $0x2  }
0xba: {  	s3 =	sand.u32 $0x4000, s31;
	s1 =	sadd.s32 s1, s30  }
0xbb: {  	s0 =	sor.u32 s3, s0;
	s1 =	sshll.u32 s1, $0x11  }
0xbc: {  	s0 =	sor.u32 s1, s0  }
0xbd: {  	s0 =	sadd.s32 $0x8F2B, s0  }
0xbe: {  	[sflag:s0] =	ssyncadd.remote.s32 $0x1  }
0xbf: {  	_ =	sfence.sel $0xFFFF  }
0xc0: {  	[dreg:$0x0] =	wrdreg $0xFFFFFFFF;
	(pc) =	sbr.abs _section_cstart, $3  }
0xc1: {  	[dreg:$0x1] =	wrdreg $0xFFFFFFFF  }
0xc2: {  	_ =	task.clear_ibuf [dreg:s7], $0x2FFFF;
	_ =	strace $0x9FFFFFFF  }
0xc3: {  	(tm) =	ssettm $0x7FFFFFFF  }
tec
execute0_lowered:
.L_overlay_start_1:
0x0: {  	(tag) =	ssettag $0x1  }
0x1: {  	s6 =	rddreg [dreg:$0x0]  }
0x2: {  	s0 =	srdreg.scid;
	s10 =	rddreg [dreg:$0x1]  }
0x3: {  	s2 =	rddreg [dreg:$0x2];
	s3 =	simm.s32 $0x0;
	s15 =	simm.s32 $0x2  }
0x4: {  	s16 =	simm.s32 $0x2800;
	s17 =	simm.s32 $0x80;
	s5 =	sand.u32 $0x1, s0  }
0x5: {  	s18 =	simm.s32 $0x1;
	s0 =	stileid.u32;
	s7 =	smul.u32 $0x140000, s5  }
0x6: {  	[smem:$0x7FF] =	sst s3;
	s4 =	sadd.s32 $0xD200, s6;
	s8 =	smul.u32 $0x14000, s0  }
0x7: {  	s1 =	sshll.u32 s5, $0x4;
	s9 =	smul.u32 $0x50000, s0;
	s29 =	ssub.s32 $0x2, s5  }
0x8: {  	s19 =	sshll.u32 s0, $0x6;
	s1 =	sor.u32 s0, s1;
	s31 =	sshrl.u32 s29, $0x1  }
0x9: {  	s19 =	sor.u32 $0x1C02, s19;
	s11 =	smul.u32 $0x500, s1;
	s1 =	rddreg [dreg:$0x3]  }
0xa: {  	_ =	strace $0x8000004A;
	s7 =	sadd.s32 s8, s7;
	s30 =	sshrl.u32 s9, $0x2  }
0xb: {  	s14 =	ssub.s32 s29, s31;
	s7 =	sshrl.u32 s7, $0x3;
	s5 =	sadd.s32 s30, s2  }
0xc: {  	s12 =	sadd.s32 s11, s6;
	s13 =	sadd.s32 s7, s6;
	s6 =	sadd.s32 $0x4000, s5  }
0xd: {  	s7 =	sadd.s32 $0x8000, s5;
	s8 =	sadd.s32 $0xC000, s5;
	s9 =	sadd.s32 $0x10000, s5  }
0xe: {  	s10 =	sadd.s32 s10, s11;
	s20 =	sshrl.u32 s5, $0x3;
	s11 =	sadd.s32 $0x3200, s12  }
0xf: {  	v0 =	vimm.f32 $0.0e+00;
	s12 =	sadd.s32 $0x35200, s13;
	s13 =	smax.u32 s14, $0x1;
	s14 =	simm.s32 $0x5000  }
.LBB2_1:
0x10: {  	s21 =	simm.s32 $0x0;
	s22 =	simm.s32 $0x200  }
.LBB2_2:
0x11: {  	p0 =	sne.s32 s22, $0xFE00;
	[tilespmem:s21+$0x5070] =	vst v0  }
0x12: {  	[tilespmem:s21+$0x5000] =	vst v0  }
0x13: {  	[tilespmem:s21+$0x5010] =	vst v0  }
.Ltmp0:
0x14: {  	[tilespmem:s21+$0x5020] =	vst v0;
	(pc) =	sbr.rel @p0 .LBB2_2-.Ltmp0, $4  }
0x15: {  	[tilespmem:s21+$0x5030] =	vst v0  }
0x16: {  	[tilespmem:s21+$0x5040] =	vst v0  }
0x17: {  	[tilespmem:s21+$0x5050] =	vst v0  }
0x18: {  	[tilespmem:s21+$0x5060] =	vst v0;
	s21 =	sshra.s32 s22, $0x2;
	s22 =	sadd.s32 $0x200, s22  }
0x19: {  	[tilespmem:s21+$0x5070] =	vst v0  }
0x1a: {  	[tilespmem:s21+$0x5000] =	vst v0  }
0x1b: {  	[tilespmem:s21+$0x5010] =	vst v0  }
0x1c: {  	[tilespmem:s21+$0x5020] =	vst v0  }
0x1d: {  	[tilespmem:s21+$0x5030] =	vst v0  }
0x1e: {  	[tilespmem:s21+$0x5040] =	vst v0  }
0x1f: {  	[tilespmem:s21+$0x5050] =	vst v0  }
0x20: {  	[tilespmem:s21+$0x5060] =	vst v0  }
0x21: {  	[spmem:s5] =	stream.linear.scatter [tilespmem:s14], [sflag:$0x2], $0x4000, $0x38;
	[tilespmem:$0x1D000] =	vst v63  }
0x22: {  	_ =	swait.ge [sflag:s15], $0x4000  }
0x23: {  	[sflag:s15] =	ssyncset.done $0x0  }
0x24: {  	[sflag:s15] =	ssyncadd.s32 $0xFFFFC000  }
0x25: {  	[spmem:s6] =	stream.linear.scatter [tilespmem:s14], [sflag:$0x2], $0x4000, $0x38;
	[tilespmem:$0x1D000] =	vst v63  }
0x26: {  	_ =	swait.ge [sflag:s15], $0x4000  }
0x27: {  	[sflag:s15] =	ssyncset.done $0x0  }
0x28: {  	[sflag:s15] =	ssyncadd.s32 $0xFFFFC000  }
0x29: {  	[spmem:s7] =	stream.linear.scatter [tilespmem:s14], [sflag:$0x2], $0x4000, $0x38;
	[tilespmem:$0x1D000] =	vst v63  }
0x2a: {  	_ =	swait.ge [sflag:s15], $0x4000  }
0x2b: {  	[sflag:s15] =	ssyncset.done $0x0  }
0x2c: {  	[sflag:s15] =	ssyncadd.s32 $0xFFFFC000  }
0x2d: {  	[spmem:s8] =	stream.linear.scatter [tilespmem:s14], [sflag:$0x2], $0x4000, $0x38;
	[tilespmem:$0x1D000] =	vst v63  }
0x2e: {  	_ =	swait.ge [sflag:s15], $0x4000  }
0x2f: {  	[sflag:s15] =	ssyncset.done $0x0  }
0x30: {  	[sflag:s15] =	ssyncadd.s32 $0xFFFFC000  }
0x31: {  	[spmem:s9] =	stream.linear.scatter [tilespmem:s14], [sflag:$0x2], $0x4000, $0x38;
	[tilespmem:$0x1D000] =	vst v63  }
0x32: {  	_ =	swait.ge [sflag:s15], $0x4000  }
0x33: {  	[sflag:s15] =	ssyncset.done $0x0  }
0x34: {  	s29 =	simm.s32 $0x0;
	[sflag:s15] =	ssyncadd.s32 $0xFFFFC000  }
0x35: {  	[tilespmem:s29], [sflag:$0x2] =	stream.linear.gather [hbm4b:s10+s29], $0x2800, $0x38;
	[tilespmem:$0x1D000] =	vst v63  }
0x36: {  	_ =	swait.ge [sflag:s15], $0x2800  }
0x37: {  	[sflag:s15] =	ssyncset.done $0x0  }
0x38: {  	[sflag:s15] =	ssyncadd.s32 $0xFFFFD800  }
0x39: {  	[tilespmem:s16], [sflag:$0x2] =	stream.linear.gather [hbm4b:s11+s29], $0x2800, $0x38;
	[tilespmem:$0x1D000] =	vst v63  }
0x3a: {  	_ =	swait.ge [sflag:s15], $0x2800  }
0x3b: {  	[sflag:s15] =	ssyncset.done $0x0  }
0x3c: {  	[sflag:s15] =	ssyncadd.s32 $0xFFFFD800  }
0x3d: {  	s30 =	simm.s32 $0x0;
	[bflag:$0x0] =	sbarrier.arrive $0xFFFF  }
0x3e: {  	[tilespmem:s14], [sflag:$0x1] =	stream.indirect.gather [hbm4b:s4+s17], $0x80, s30, s17, $0xb8;
	[tilespmem:$0x1D000] =	vst v63  }
0x3f: {  	_ =	swait.ge [sflag:s18], $0x4000  }
0x40: {  	[sflag:s18] =	ssyncset.done $0x0  }
0x41: {  	s31 =	simm.s32 $0x2800;
	[sflag:s18] =	ssyncadd.s32 $0xFFFFC000  }
0x42: {  	[spmem:s2] =	stream.indirect.scatter.add.f32 [tilespmem:s14], [sflag:$0x2], $0x80, s31, s17, $0xb8;
	[tilespmem:$0x1D000] =	vst v63  }
0x43: {  	_ =	swait.ge [sflag:s15], $0x4000  }
0x44: {  	s21 =	simm.s32 $0x200;
	s22 =	simm.s32 $0x400;
	[sflag:s15] =	ssyncset.done $0x0  }
.LBB2_4:
0x45: {  	s23 =	sshra.s32 s21, $0x2  }
0x46: {  	[sflag:s15] =	ssyncadd.s32 $0xFFFFC000;
	s21 =	smov.u32 s22;
	s24 =	sadd.s32 $0x200, s22  }
0x47: {  	[tilespmem:s14], [sflag:$0x1] =	stream.indirect.gather [hbm4b:s4+s17], $0x80, s23, s17, $0xb8;
	[tilespmem:$0x1D000] =	vst v63  }
0x48: {  	p0 =	sne.s32 s22, $0x9E00;
	_ =	swait.ge [sflag:s18], $0x4000  }
.Ltmp1:
0x49: {  	[sflag:s18] =	ssyncset.done $0x0;
	(pc) =	sbr.rel @p0 .LBB2_4-.Ltmp1, $4  }
0x4a: {  	s22 =	sadd.s32 $0x2800, s23;
	[sflag:s18] =	ssyncadd.s32 $0xFFFFC000  }
0x4b: {  	[spmem:s2] =	stream.indirect.scatter.add.f32 [tilespmem:s14], [sflag:$0x2], $0x80, s22, s17, $0xb8;
	[tilespmem:$0x1D000] =	vst v63  }
0x4c: {  	_ =	swait.ge [sflag:s15], $0x4000  }
0x4d: {  	s22 =	smov.u32 s24;
	[sflag:s15] =	ssyncset.done $0x0  }
0x4e: {  	s21 =	sshra.s32 s21, $0x2;
	[sflag:s15] =	ssyncadd.s32 $0xFFFFC000  }
0x4f: {  	[tilespmem:s14], [sflag:$0x1] =	stream.indirect.gather [hbm4b:s4+s17], $0x80, s21, s17, $0xb8;
	[tilespmem:$0x1D000] =	vst v63  }
0x50: {  	_ =	swait.ge [sflag:s18], $0x4000  }
0x51: {  	[sflag:s18] =	ssyncset.done $0x0  }
0x52: {  	s21 =	sadd.s32 $0x2800, s21;
	[sflag:s18] =	ssyncadd.s32 $0xFFFFC000  }
0x53: {  	[spmem:s2] =	stream.indirect.scatter.add.f32 [tilespmem:s14], [sflag:$0x2], $0x80, s21, s17, $0xb8;
	[tilespmem:$0x1D000] =	vst v63  }
0x54: {  	_ =	swait.ge [sflag:s15], $0x4000  }
0x55: {  	s3 =	sadd.s32 $0x1, s3;
	[sflag:s15] =	ssyncset.done $0x0  }
0x56: {  	p0 =	sne.s32 s3, s13;
	[sflag:s15] =	ssyncadd.s32 $0xFFFFC000  }
.Ltmp2:
0x57: {  	[bflag:$0x0] =	sbarrier.arrive $0xFFFF;
	(pc) =	sbr.rel @p0 .LBB2_1-.Ltmp2, $4  }
0x58: {  	[hbm:s12], [sflag:s19] =	dma.local [spmem:s20], $0x2800  }
0x59: {  	_ =	swait.ge [sflag:s15], $0x2800  }
0x5a: {  	[sflag:s15] =	ssyncset.done $0x0  }
0x5b: {  	[sflag:s15] =	ssyncadd.s32 $0xFFFFD800  }
0x5c: {  	_ =	sfence.sel $0x180000  }
0x5d: {  	[bflag:$0x0] =	sbarrier.arrive $0xFFFF  }
0x5e: {  	p0 =	sne.s32 s0, $0x0;
	_ =	strace $0x9000004A  }
0x5f: {  	s0 =	sadd.s32 @!p0 $0x100000, s1;
	[bflag:$0x2] =	sbarrier.arrive $0xFFFF  }
0x60: {  	[sflag:s0] =	ssyncadd.tile.s32 @!p0 $0x1;
	_ =	shalt  }
.Lfunc_end2:
_tile_overlayer_lowered:
.L_overlay_start_2:
0x61: {  	(tag) =	ssettag $0x2  }
0x62: {  	s0 =	rddreg [dreg:$0x0];
	s2 =	stileid.u32  }
0x63: {  	s1 =	rddreg [dreg:$0x1];
	p0 =	sne.s32 s2, $0x0  }
0x64: {  	s3 =	rddreg [dreg:$0x2];
	[bflag:$0x3] =	sbarrier.arrive $0xFFFF;
	s2 =	simm.s32 @!p0 $0x1C02  }
0x65: {  	[timem:s3], [sflag:s2] =	dma.local @!p0 [hbm:s0], s1  }
0x66: {  	s0 =	simm.s32 @!p0 $0x2  }
0x67: {  	_ =	swait.ge @!p0 [sflag:s0], s1  }
0x68: {  	s1 =	ssub.s32 @!p0 $0x0, s1;
	[sflag:s0] =	ssyncset.done @!p0 $0x0  }
0x69: {  	[sflag:s0] =	ssyncadd.s32 @!p0 s1  }
0x6a: {  	[bflag:$0x3] =	sbarrier.arrive $0xFFFF  }
0x6b: {  	_ =	shalt  }

// kernel: kernel.16.cloned.1.call-start
scs
__scs_entry_jumppad:
0x0: {  	(pc) =	sbr.rel $0x88, $3  }
0x1: {  	(tag) =	ssettag $0x0;
	lr =	simm.s32 $0x1  }
0x2: {  	[smem:$0x3F99] =	sst lr;
	_ =	strace $0xD0000000  }
0x3: {  	_ = 	snop  }
0x4: {  	_ = 	snop  }
0x5: {  	_ = 	snop  }
0x6: {  	_ = 	snop  }
0x7: {  	_ = 	snop  }
__scs_overlays_trampoline_lowered:
0x8: {  	[smem:$0x3FA8] =	sst s0  }
0x9: {  	[smem:$0x3FA9] =	sst s1  }
0xa: {  	[smem:$0x3FAA] =	sst s2  }
0xb: {  	[smem:$0x3FAB] =	sst s3  }
0xc: {  	[smem:$0x3FAC] =	sst s4  }
0xd: {  	[smem:$0x3FAD] =	sst s5  }
0xe: {  	[smem:$0x3FAE] =	sst s6  }
0xf: {  	[smem:$0x3FAF] =	sst s7  }
0x10: {  	[smem:$0x3FB0] =	sst s8  }
0x11: {  	[smem:$0x3FB1] =	sst s9;
	s0 =	simm.s32 @!p0 $0x0  }
0x12: {  	s1 =	sld [smem:$0x3F97];
	s0 =	simm.s32 @p0 $0x1  }
0x13: {  	[smem:$0x3FB2] =	sst s0;
	s0 =	simm.s32 @!p1 $0x0  }
0x14: {  	s2 =	sld [smem:$0x3F96];
	s0 =	simm.s32 @p1 $0x1  }
0x15: {  	[smem:$0x3FB3] =	sst s0;
	s0 =	simm.s32 @!p2 $0x0  }
0x16: {  	s3 =	sld [smem:$0x3FDB];
	s0 =	simm.s32 @p2 $0x1  }
0x17: {  	s4 =	simm.s32 $0x1BF5;
	[smem:$0x3FB5] =	sst s0  }
0x18: {  	s0 =	sld [smem:$0x3F98];
	_ =	swait.ge [sflag:s4], $0x0  }
0x19: {  	s7 =	sld [smem:$0x3F99]  }
0x1a: {  	s8 =	sadd.s32 $0xFFFFE003, lr  }
0x1b: {  	s9 =	sadd.s32 $0xFFFFFEF7, lr;
	s5 =	simm.s32 $0xFFFFFFFF;
	p2 =	slt.u32 s8, $0xFFFFF086  }
0x1c: {  	p1 =	slt.u32 s9, $0xF7A;
	s5 =	simm.s32 @!p2 $0x0  }
0x1d: {  	s5 =	simm.s32 @p1 $0x1;
	p0 =	seq.s32 s7, s2  }
0x1e: {  	s7 =	smul.u32 @!p0 $0xF7A, s2;
	p2 =	seq.s32 @!p0 s5, $0x0  }
0x1f: {  	s9 =	smul.u32 $0xF7A, s1;
	s8 =	simm.s32 @!p0 $0x1BF5;
	p2 =	por !p2, p0  }
0x20: {  	[sflag:s8] =	ssyncset.s32 @!p0 $0xFFFFF086;
	s6 =	sadd.s32 @!p0 s3, s7;
	s7 =	simm.s32 @!p0 $0x108  }
0x21: {  	s3 =	sadd.s32 s3, s9;
	s6 =	sadd.s32 @!p0 $0x88, s6;
	s7 =	simm.s32 @p2 $0x1082  }
0x22: {  	[simem:s7], [sflag:s8] =	dma.local @!p0 [hbm:s6], $0xF7A  }
0x23: {  	s9 =	sor.u32 $0xD0000000, s2;
	s6 =	simm.s32 $0x108;
	_ =	swait.ge @!p0 [sflag:s8], $0x0  }
0x24: {  	s3 =	sadd.s32 $0x88, s3;
	s6 =	simm.s32 @!p1 $0x1082;
	[sflag:s4] =	ssyncset.s32 $0xFFFFF086  }
0x25: {  	[simem:s6], [sflag:s4] =	dma.local [hbm:s3], $0xF7A  }
0x26: {  	[smem:$0x3F99] =	sst s1;
	(tag) =	ssettag s2;
	_ =	strace s9  }
0x27: {  	s1 =	sld [smem:$0x3FA9]  }
0x28: {  	s2 =	sld [smem:$0x3FAA]  }
0x29: {  	s4 =	sld [smem:$0x3FAC]  }
0x2a: {  	p0 =	seq.s32 s5, $0x0;
	s5 =	sld [smem:$0x3FAD]  }
0x2b: {  	s6 =	sld [smem:$0x3FAE]  }
0x2c: {  	s7 =	sld [smem:$0x3FAF]  }
0x2d: {  	s3 =	simm.s32 $0x108;
	s8 =	sld [smem:$0x3FB0]  }
0x2e: {  	s3 =	simm.s32 @!p0 $0x1082;
	s9 =	sld [smem:$0x3FB1]  }
0x2f: {  	lr =	sadd.s32 s0, s3;
	s0 =	sld [smem:$0x3FA8]  }
0x30: {  	s3 =	sld [smem:$0x3FAB]  }
0x31: {  	[smem:$0x3FB4] =	sst s10  }
0x32: {  	s10 =	sld [smem:$0x3FB2];
	_ =	sdelay $0x3  }
0x33: {  	p0 =	seq.s32 s10, $0x1;
	s10 =	sld [smem:$0x3FB4];
	_ =	sdelay $0x3  }
0x34: {  	[smem:$0x3FB4] =	sst s10  }
0x35: {  	s10 =	sld [smem:$0x3FB3];
	_ =	sdelay $0x3  }
0x36: {  	p1 =	seq.s32 s10, $0x1;
	s10 =	sld [smem:$0x3FB4];
	_ =	sdelay $0x3  }
0x37: {  	[smem:$0x3FB4] =	sst s10  }
0x38: {  	s10 =	sld [smem:$0x3FB5]  }
0x39: {  	_ = 	snop;
	(pc) =	sbr.ind lr, $3  }
0x3a: {  	_ = 	snop  }
0x3b: {  	_ = 	snop  }
0x3c: {  	p2 =	seq.s32 s10, $0x1;
	s10 =	sld [smem:$0x3FB4]  }
0x3d: {  	_ =	shalt  }
0x3e: {  	_ =	shalt  }
0x3f: {  	_ =	shalt  }
0x40: {  	_ =	shalt  }
0x41: {  	_ =	shalt  }
0x42: {  	_ =	shalt  }
0x43: {  	_ =	shalt  }
0x44: {  	_ =	shalt  }
0x45: {  	_ =	shalt  }
0x46: {  	_ =	shalt  }
0x47: {  	_ =	shalt  }
0x48: {  	_ =	shalt  }
0x49: {  	_ =	shalt  }
0x4a: {  	_ =	shalt  }
0x4b: {  	_ =	shalt  }
0x4c: {  	_ =	shalt  }
0x4d: {  	_ =	shalt  }
0x4e: {  	_ =	shalt  }
0x4f: {  	_ =	shalt  }
0x50: {  	_ =	shalt  }
0x51: {  	_ =	shalt  }
0x52: {  	_ =	shalt  }
0x53: {  	_ =	shalt  }
0x54: {  	_ =	shalt  }
0x55: {  	_ =	shalt  }
0x56: {  	_ =	shalt  }
0x57: {  	_ =	shalt  }
0x58: {  	_ =	shalt  }
0x59: {  	_ =	shalt  }
0x5a: {  	_ =	shalt  }
0x5b: {  	_ =	shalt  }
0x5c: {  	_ =	shalt  }
0x5d: {  	_ =	shalt  }
0x5e: {  	_ =	shalt  }
0x5f: {  	_ =	shalt  }
0x60: {  	_ =	shalt  }
0x61: {  	_ =	shalt  }
0x62: {  	_ =	shalt  }
0x63: {  	_ =	shalt  }
0x64: {  	_ =	shalt  }
0x65: {  	_ =	shalt  }
0x66: {  	_ =	shalt  }
0x67: {  	_ =	shalt  }
0x68: {  	_ =	shalt  }
0x69: {  	_ =	shalt  }
0x6a: {  	_ =	shalt  }
0x6b: {  	_ =	shalt  }
0x6c: {  	_ =	shalt  }
0x6d: {  	_ =	shalt  }
0x6e: {  	_ =	shalt  }
0x6f: {  	_ =	shalt  }
0x70: {  	_ =	shalt  }
0x71: {  	_ =	shalt  }
0x72: {  	_ =	shalt  }
0x73: {  	_ =	shalt  }
0x74: {  	_ =	shalt  }
0x75: {  	_ =	shalt  }
0x76: {  	_ =	shalt  }
0x77: {  	_ =	shalt  }
0x78: {  	_ =	shalt  }
0x79: {  	_ =	shalt  }
0x7a: {  	_ =	shalt  }
0x7b: {  	_ =	shalt  }
0x7c: {  	_ =	shalt  }
0x7d: {  	_ =	shalt  }
0x7e: {  	_ =	shalt  }
0x7f: {  	_ =	shalt  }
0x80: {  	_ =	shalt  }
0x81: {  	_ =	shalt  }
0x82: {  	_ =	shalt  }
0x83: {  	_ =	shalt  }
0x84: {  	_ =	shalt  }
0x85: {  	_ =	shalt  }
0x86: {  	_ =	shalt  }
0x87: {  	_ =	shalt  }
.Lfunc_end0:
.L_simem_size_0:
called_computation.2_lowered:
.L_overlay_start_0:
0x88: {  	s2 =	sld [smem:$0x3FD9]  }
0x89: {  	s3 =	sld [smem:$0x3FFE];
	_ =	sdelay $0x1  }
0x8a: {  	s1 =	srdreg.scid  }
0x8b: {  	s0 =	sand.u32 $0x1, s1  }
0x8c: {  	s17 =	sshll.u32 s0, $0xA;
	s2 =	sadd.s32 s3, s2  }
0x8d: {  	s2 =	sadd.s32 s2, s17  }
0x8e: {  	[smem:$0x3FC0] =	sst s2  }
0x8f: {  	_ = 	snop  }
0x90: {  	s2 =	sld [smem:$0x3FD0];
	(tm) =	ssettm $0x1  }
0x91: {  	s18 =	sld [smem:$0x3FFB];
	_ =	sdelay $0x3  }
0x92: {  	_ =	strace s18  }
0x93: {  	s3 =	sld [smem:$0x3FFC];
	_ =	sdelay $0x3  }
0x94: {  	_ =	strace s3  }
0x95: {  	s3 =	sld [smem:$0x3FFD];
	_ =	sdelay $0x3  }
0x96: {  	_ =	strace s3  }
0x97: {  	_ =	strace $0x8FFFFFFF  }
0x98: {  	s19 =	sld [smem:$0x3FDB];
	_ =	sdelay $0x1  }
0x99: {  	s4 =	simm.s32 $_scs_section_size  }
0x9a: {  	s5 =	simm.s32 $_size__tile_overlayer_lowered;
	s6 =	simm.s32 $_tile_overlayer_lowered  }
0x9b: {  	s22 =	simm.s32 $0x1BFF;
	s21 =	sshll.u32 s6, $0x1;
	s3 =	sadd.s32 s4, s19  }
0x9c: {  	s7 =	simm.s32 $0x0;
	s20 =	sshll.u32 s5, $0x1;
	s5 =	sadd.s32 s21, s3  }
0x9d: {  	[timem:s7], [sflag:s22] =	dma.local [hbm:s5], s20  }
0x9e: {  	_ =	swait.ge [sflag:s22], s20  }
0x9f: {  	s4 =	ssub.s32 $0x0, s20;
	[sflag:s22] =	ssyncset.done $0x0  }
0xa0: {  	[sflag:s22] =	ssyncadd.s32 s4;
	_ =	sdelay $0x1  }
0xa1: {  	s23 =	simm.s32 $0x1B8B  }
0xa2: {  	_ =	swait.ge [sflag:s23], $0x1  }
0xa3: {  	[sflag:s23] =	ssyncset.done $0x0  }
0xa4: {  	s25 =	simm.s32 $0x1B8E;
	s24 =	sld [smem:$0x3FFE];
	[sflag:s23] =	ssyncadd.s32 $0xFFFFFFFF  }
0xa5: {  	s26 =	simm.s32 $execute0_lowered;
	[smem:$0x3FD2] =	sst s25  }
0xa6: {  	s5 =	sshll.u32 s26, $0x1;
	_ =	strace $0x8000004C;
	[dreg:$0x1] =	wrdreg $0xFFFFFFFF  }
0xa7: {  	s28 =	simm.s32 $_size_execute0_lowered;
	s3 =	sadd.s32 s3, s5;
	[dreg:$0x0] =	wrdreg $0x0  }
0xa8: {  	s5 =	sshll.u32 s28, $0x1;
	[dreg:$0x2] =	wrdreg s3  }
0xa9: {  	[dreg:$0x3] =	wrdreg s5  }
0xaa: {  	[dreg:$0x4] =	wrdreg $0xC0  }
0xab: {  	_ =	task [dreg:s7], $0x5FFFF  }
0xac: {  	[dreg:$0x1] =	wrdreg $0xFFFFFFFF  }
0xad: {  	[dreg:$0x0] =	wrdreg $0x60  }
0xae: {  	[dreg:$0x2] =	wrdreg s24  }
0xaf: {  	[dreg:$0x3] =	wrdreg s2  }
0xb0: {  	[dreg:$0x4] =	wrdreg $0x90000  }
0xb1: {  	[dreg:$0x5] =	wrdreg $0x9  }
0xb2: {  	_ =	task.clear_ibuf [dreg:s7], $0x6FFFF;
	_ =	strace $0x9000004C  }
0xb3: {  	s29 =	simm.s32 $0x9;
	_ =	strace $0x8000004E  }
0xb4: {  	_ =	swait.ge [sflag:s29], $0x1  }
0xb5: {  	[sflag:s29] =	ssyncadd.s32 $0xFFFFFFFF  }
0xb6: {  	_ =	strace $0x9000004E  }
0xb7: {  	_ =	sfence  }
0xb8: {  	s30 =	sld [smem:$0x0];
	_ =	sdelay $0x2  }
0xb9: {  	s31 =	sshll.u32 s1, $0xD;
	s1 =	sshrl.u32 s1, $0x2  }
0xba: {  	s3 =	sand.u32 $0x4000, s31;
	s1 =	sadd.s32 s1, s30  }
0xbb: {  	s0 =	sor.u32 s3, s0;
	s1 =	sshll.u32 s1, $0x11  }
0xbc: {  	s0 =	sor.u32 s1, s0  }
0xbd: {  	s0 =	sadd.s32 $0x8F2B, s0  }
0xbe: {  	[sflag:s0] =	ssyncadd.remote.s32 $0x1  }
0xbf: {  	_ =	sfence.sel $0xFFFF  }
0xc0: {  	[dreg:$0x0] =	wrdreg $0xFFFFFFFF;
	(pc) =	sbr.abs _section_cstart, $3  }
0xc1: {  	[dreg:$0x1] =	wrdreg $0xFFFFFFFF  }
0xc2: {  	_ =	task.clear_ibuf [dreg:s7], $0x2FFFF;
	_ =	strace $0x9FFFFFFF  }
0xc3: {  	(tm) =	ssettm $0x7FFFFFFF  }
tec
execute0_lowered:
.L_overlay_start_1:
0x0: {  	(tag) =	ssettag $0x1  }
0x1: {  	s6 =	rddreg [dreg:$0x0]  }
0x2: {  	s0 =	srdreg.scid;
	s10 =	rddreg [dreg:$0x1]  }
0x3: {  	s2 =	rddreg [dreg:$0x2];
	s3 =	simm.s32 $0x0;
	s15 =	simm.s32 $0x2  }
0x4: {  	s16 =	simm.s32 $0x2800;
	s17 =	simm.s32 $0x80;
	s5 =	sand.u32 $0x1, s0  }
0x5: {  	s18 =	simm.s32 $0x1;
	s0 =	stileid.u32;
	s7 =	smul.u32 $0x140000, s5  }
0x6: {  	[smem:$0x7FF] =	sst s3;
	s4 =	sadd.s32 $0xD200, s6;
	s8 =	smul.u32 $0x14000, s0  }
0x7: {  	s1 =	sshll.u32 s5, $0x4;
	s9 =	smul.u32 $0x50000, s0;
	s29 =	ssub.s32 $0x2, s5  }
0x8: {  	s19 =	sshll.u32 s0, $0x6;
	s1 =	sor.u32 s0, s1;
	s31 =	sshrl.u32 s29, $0x1  }
0x9: {  	s19 =	sor.u32 $0x1C02, s19;
	s11 =	smul.u32 $0x500, s1;
	s1 =	rddreg [dreg:$0x3]  }
0xa: {  	_ =	strace $0x8000004D;
	s7 =	sadd.s32 s8, s7;
	s30 =	sshrl.u32 s9, $0x2  }
0xb: {  	s14 =	ssub.s32 s29, s31;
	s7 =	sshrl.u32 s7, $0x3;
	s5 =	sadd.s32 s30, s2  }
0xc: {  	s12 =	sadd.s32 s11, s6;
	s13 =	sadd.s32 s7, s6;
	s6 =	sadd.s32 $0x4000, s5  }
0xd: {  	s7 =	sadd.s32 $0x8000, s5;
	s8 =	sadd.s32 $0xC000, s5;
	s9 =	sadd.s32 $0x10000, s5  }
0xe: {  	s10 =	sadd.s32 s10, s11;
	s20 =	sshrl.u32 s5, $0x3;
	s11 =	sadd.s32 $0x3200, s12  }
0xf: {  	v0 =	vimm.f32 $0.0e+00;
	s12 =	sadd.s32 $0x35200, s13;
	s13 =	smax.u32 s14, $0x1;
	s14 =	simm.s32 $0x5000  }
.LBB2_1:
0x10: {  	s21 =	simm.s32 $0x0;
	s22 =	simm.s32 $0x200  }
.LBB2_2:
0x11: {  	p0 =	sne.s32 s22, $0xFE00;
	[tilespmem:s21+$0x5070] =	vst v0  }
0x12: {  	[tilespmem:s21+$0x5000] =	vst v0  }
0x13: {  	[tilespmem:s21+$0x5010] =	vst v0  }
.Ltmp0:
0x14: {  	[tilespmem:s21+$0x5020] =	vst v0;
	(pc) =	sbr.rel @p0 .LBB2_2-.Ltmp0, $4  }
0x15: {  	[tilespmem:s21+$0x5030] =	vst v0  }
0x16: {  	[tilespmem:s21+$0x5040] =	vst v0  }
0x17: {  	[tilespmem:s21+$0x5050] =	vst v0  }
0x18: {  	[tilespmem:s21+$0x5060] =	vst v0;
	s21 =	sshra.s32 s22, $0x2;
	s22 =	sadd.s32 $0x200, s22  }
0x19: {  	[tilespmem:s21+$0x5070] =	vst v0  }
0x1a: {  	[tilespmem:s21+$0x5000] =	vst v0  }
0x1b: {  	[tilespmem:s21+$0x5010] =	vst v0  }
0x1c: {  	[tilespmem:s21+$0x5020] =	vst v0  }
0x1d: {  	[tilespmem:s21+$0x5030] =	vst v0  }
0x1e: {  	[tilespmem:s21+$0x5040] =	vst v0  }
0x1f: {  	[tilespmem:s21+$0x5050] =	vst v0  }
0x20: {  	[tilespmem:s21+$0x5060] =	vst v0  }
0x21: {  	[spmem:s5] =	stream.linear.scatter [tilespmem:s14], [sflag:$0x2], $0x4000, $0x38;
	[tilespmem:$0x1D000] =	vst v63  }
0x22: {  	_ =	swait.ge [sflag:s15], $0x4000  }
0x23: {  	[sflag:s15] =	ssyncset.done $0x0  }
0x24: {  	[sflag:s15] =	ssyncadd.s32 $0xFFFFC000  }
0x25: {  	[spmem:s6] =	stream.linear.scatter [tilespmem:s14], [sflag:$0x2], $0x4000, $0x38;
	[tilespmem:$0x1D000] =	vst v63  }
0x26: {  	_ =	swait.ge [sflag:s15], $0x4000  }
0x27: {  	[sflag:s15] =	ssyncset.done $0x0  }
0x28: {  	[sflag:s15] =	ssyncadd.s32 $0xFFFFC000  }
0x29: {  	[spmem:s7] =	stream.linear.scatter [tilespmem:s14], [sflag:$0x2], $0x4000, $0x38;
	[tilespmem:$0x1D000] =	vst v63  }
0x2a: {  	_ =	swait.ge [sflag:s15], $0x4000  }
0x2b: {  	[sflag:s15] =	ssyncset.done $0x0  }
0x2c: {  	[sflag:s15] =	ssyncadd.s32 $0xFFFFC000  }
0x2d: {  	[spmem:s8] =	stream.linear.scatter [tilespmem:s14], [sflag:$0x2], $0x4000, $0x38;
	[tilespmem:$0x1D000] =	vst v63  }
0x2e: {  	_ =	swait.ge [sflag:s15], $0x4000  }
0x2f: {  	[sflag:s15] =	ssyncset.done $0x0  }
0x30: {  	[sflag:s15] =	ssyncadd.s32 $0xFFFFC000  }
0x31: {  	[spmem:s9] =	stream.linear.scatter [tilespmem:s14], [sflag:$0x2], $0x4000, $0x38;
	[tilespmem:$0x1D000] =	vst v63  }
0x32: {  	_ =	swait.ge [sflag:s15], $0x4000  }
0x33: {  	[sflag:s15] =	ssyncset.done $0x0  }
0x34: {  	s29 =	simm.s32 $0x0;
	[sflag:s15] =	ssyncadd.s32 $0xFFFFC000  }
0x35: {  	[tilespmem:s29], [sflag:$0x2] =	stream.linear.gather [hbm4b:s10+s29], $0x2800, $0x38;
	[tilespmem:$0x1D000] =	vst v63  }
0x36: {  	_ =	swait.ge [sflag:s15], $0x2800  }
0x37: {  	[sflag:s15] =	ssyncset.done $0x0  }
0x38: {  	[sflag:s15] =	ssyncadd.s32 $0xFFFFD800  }
0x39: {  	[tilespmem:s16], [sflag:$0x2] =	stream.linear.gather [hbm4b:s11+s29], $0x2800, $0x38;
	[tilespmem:$0x1D000] =	vst v63  }
0x3a: {  	_ =	swait.ge [sflag:s15], $0x2800  }
0x3b: {  	[sflag:s15] =	ssyncset.done $0x0  }
0x3c: {  	[sflag:s15] =	ssyncadd.s32 $0xFFFFD800  }
0x3d: {  	s30 =	simm.s32 $0x0;
	[bflag:$0x0] =	sbarrier.arrive $0xFFFF  }
0x3e: {  	[tilespmem:s14], [sflag:$0x1] =	stream.indirect.gather [hbm4b:s4+s17], $0x80, s30, s17, $0xb8;
	[tilespmem:$0x1D000] =	vst v63  }
0x3f: {  	_ =	swait.ge [sflag:s18], $0x4000  }
0x40: {  	[sflag:s18] =	ssyncset.done $0x0  }
0x41: {  	s31 =	simm.s32 $0x2800;
	[sflag:s18] =	ssyncadd.s32 $0xFFFFC000  }
0x42: {  	[spmem:s2] =	stream.indirect.scatter.add.f32 [tilespmem:s14], [sflag:$0x2], $0x80, s31, s17, $0xb8;
	[tilespmem:$0x1D000] =	vst v63  }
0x43: {  	_ =	swait.ge [sflag:s15], $0x4000  }
0x44: {  	s21 =	simm.s32 $0x200;
	s22 =	simm.s32 $0x400;
	[sflag:s15] =	ssyncset.done $0x0  }
.LBB2_4:
0x45: {  	s23 =	sshra.s32 s21, $0x2  }
0x46: {  	[sflag:s15] =	ssyncadd.s32 $0xFFFFC000;
	s21 =	smov.u32 s22;
	s24 =	sadd.s32 $0x200, s22  }
0x47: {  	[tilespmem:s14], [sflag:$0x1] =	stream.indirect.gather [hbm4b:s4+s17], $0x80, s23, s17, $0xb8;
	[tilespmem:$0x1D000] =	vst v63  }
0x48: {  	p0 =	sne.s32 s22, $0x9E00;
	_ =	swait.ge [sflag:s18], $0x4000  }
.Ltmp1:
0x49: {  	[sflag:s18] =	ssyncset.done $0x0;
	(pc) =	sbr.rel @p0 .LBB2_4-.Ltmp1, $4  }
0x4a: {  	s22 =	sadd.s32 $0x2800, s23;
	[sflag:s18] =	ssyncadd.s32 $0xFFFFC000  }
0x4b: {  	[spmem:s2] =	stream.indirect.scatter.add.f32 [tilespmem:s14], [sflag:$0x2], $0x80, s22, s17, $0xb8;
	[tilespmem:$0x1D000] =	vst v63  }
0x4c: {  	_ =	swait.ge [sflag:s15], $0x4000  }
0x4d: {  	s22 =	smov.u32 s24;
	[sflag:s15] =	ssyncset.done $0x0  }
0x4e: {  	s21 =	sshra.s32 s21, $0x2;
	[sflag:s15] =	ssyncadd.s32 $0xFFFFC000  }
0x4f: {  	[tilespmem:s14], [sflag:$0x1] =	stream.indirect.gather [hbm4b:s4+s17], $0x80, s21, s17, $0xb8;
	[tilespmem:$0x1D000] =	vst v63  }
0x50: {  	_ =	swait.ge [sflag:s18], $0x4000  }
0x51: {  	[sflag:s18] =	ssyncset.done $0x0  }
0x52: {  	s21 =	sadd.s32 $0x2800, s21;
	[sflag:s18] =	ssyncadd.s32 $0xFFFFC000  }
0x53: {  	[spmem:s2] =	stream.indirect.scatter.add.f32 [tilespmem:s14], [sflag:$0x2], $0x80, s21, s17, $0xb8;
	[tilespmem:$0x1D000] =	vst v63  }
0x54: {  	_ =	swait.ge [sflag:s15], $0x4000  }
0x55: {  	s3 =	sadd.s32 $0x1, s3;
	[sflag:s15] =	ssyncset.done $0x0  }
0x56: {  	p0 =	sne.s32 s3, s13;
	[sflag:s15] =	ssyncadd.s32 $0xFFFFC000  }
.Ltmp2:
0x57: {  	[bflag:$0x0] =	sbarrier.arrive $0xFFFF;
	(pc) =	sbr.rel @p0 .LBB2_1-.Ltmp2, $4  }
0x58: {  	[hbm:s12], [sflag:s19] =	dma.local [spmem:s20], $0x2800  }
0x59: {  	_ =	swait.ge [sflag:s15], $0x2800  }
0x5a: {  	[sflag:s15] =	ssyncset.done $0x0  }
0x5b: {  	[sflag:s15] =	ssyncadd.s32 $0xFFFFD800  }
0x5c: {  	_ =	sfence.sel $0x180000  }
0x5d: {  	[bflag:$0x0] =	sbarrier.arrive $0xFFFF  }
0x5e: {  	p0 =	sne.s32 s0, $0x0;
	_ =	strace $0x9000004D  }
0x5f: {  	s0 =	sadd.s32 @!p0 $0x100000, s1;
	[bflag:$0x2] =	sbarrier.arrive $0xFFFF  }
0x60: {  	[sflag:s0] =	ssyncadd.tile.s32 @!p0 $0x1;
	_ =	shalt  }
.Lfunc_end2:
_tile_overlayer_lowered:
.L_overlay_start_2:
0x61: {  	(tag) =	ssettag $0x2  }
0x62: {  	s0 =	rddreg [dreg:$0x0];
	s2 =	stileid.u32  }
0x63: {  	s1 =	rddreg [dreg:$0x1];
	p0 =	sne.s32 s2, $0x0  }
0x64: {  	s3 =	rddreg [dreg:$0x2];
	[bflag:$0x3] =	sbarrier.arrive $0xFFFF;
	s2 =	simm.s32 @!p0 $0x1C02  }
0x65: {  	[timem:s3], [sflag:s2] =	dma.local @!p0 [hbm:s0], s1  }
0x66: {  	s0 =	simm.s32 @!p0 $0x2  }
0x67: {  	_ =	swait.ge @!p0 [sflag:s0], s1  }
0x68: {  	s1 =	ssub.s32 @!p0 $0x0, s1;
	[sflag:s0] =	ssyncset.done @!p0 $0x0  }
0x69: {  	[sflag:s0] =	ssyncadd.s32 @!p0 s1  }
0x6a: {  	[bflag:$0x3] =	sbarrier.arrive $0xFFFF  }
0x6b: {  	_ =	shalt  }

// kernel: kernel.19.cloned.1.call-start
scs
__scs_entry_jumppad:
0x0: {  	(pc) =	sbr.rel $0x88, $3  }
0x1: {  	(tag) =	ssettag $0x0;
	lr =	simm.s32 $0x1  }
0x2: {  	[smem:$0x3F99] =	sst lr;
	_ =	strace $0xD0000000  }
0x3: {  	_ = 	snop  }
0x4: {  	_ = 	snop  }
0x5: {  	_ = 	snop  }
0x6: {  	_ = 	snop  }
0x7: {  	_ = 	snop  }
__scs_overlays_trampoline_lowered:
0x8: {  	[smem:$0x3FA8] =	sst s0  }
0x9: {  	[smem:$0x3FA9] =	sst s1  }
0xa: {  	[smem:$0x3FAA] =	sst s2  }
0xb: {  	[smem:$0x3FAB] =	sst s3  }
0xc: {  	[smem:$0x3FAC] =	sst s4  }
0xd: {  	[smem:$0x3FAD] =	sst s5  }
0xe: {  	[smem:$0x3FAE] =	sst s6  }
0xf: {  	[smem:$0x3FAF] =	sst s7  }
0x10: {  	[smem:$0x3FB0] =	sst s8  }
0x11: {  	[smem:$0x3FB1] =	sst s9;
	s0 =	simm.s32 @!p0 $0x0  }
0x12: {  	s1 =	sld [smem:$0x3F97];
	s0 =	simm.s32 @p0 $0x1  }
0x13: {  	[smem:$0x3FB2] =	sst s0;
	s0 =	simm.s32 @!p1 $0x0  }
0x14: {  	s2 =	sld [smem:$0x3F96];
	s0 =	simm.s32 @p1 $0x1  }
0x15: {  	[smem:$0x3FB3] =	sst s0;
	s0 =	simm.s32 @!p2 $0x0  }
0x16: {  	s3 =	sld [smem:$0x3FDB];
	s0 =	simm.s32 @p2 $0x1  }
0x17: {  	s4 =	simm.s32 $0x1BF5;
	[smem:$0x3FB5] =	sst s0  }
0x18: {  	s0 =	sld [smem:$0x3F98];
	_ =	swait.ge [sflag:s4], $0x0  }
0x19: {  	s7 =	sld [smem:$0x3F99]  }
0x1a: {  	s8 =	sadd.s32 $0xFFFFE003, lr  }
0x1b: {  	s9 =	sadd.s32 $0xFFFFFEF7, lr;
	s5 =	simm.s32 $0xFFFFFFFF;
	p2 =	slt.u32 s8, $0xFFFFF086  }
0x1c: {  	p1 =	slt.u32 s9, $0xF7A;
	s5 =	simm.s32 @!p2 $0x0  }
0x1d: {  	s5 =	simm.s32 @p1 $0x1;
	p0 =	seq.s32 s7, s2  }
0x1e: {  	s7 =	smul.u32 @!p0 $0xF7A, s2;
	p2 =	seq.s32 @!p0 s5, $0x0  }
0x1f: {  	s9 =	smul.u32 $0xF7A, s1;
	s8 =	simm.s32 @!p0 $0x1BF5;
	p2 =	por !p2, p0  }
0x20: {  	[sflag:s8] =	ssyncset.s32 @!p0 $0xFFFFF086;
	s6 =	sadd.s32 @!p0 s3, s7;
	s7 =	simm.s32 @!p0 $0x108  }
0x21: {  	s3 =	sadd.s32 s3, s9;
	s6 =	sadd.s32 @!p0 $0x88, s6;
	s7 =	simm.s32 @p2 $0x1082  }
0x22: {  	[simem:s7], [sflag:s8] =	dma.local @!p0 [hbm:s6], $0xF7A  }
0x23: {  	s9 =	sor.u32 $0xD0000000, s2;
	s6 =	simm.s32 $0x108;
	_ =	swait.ge @!p0 [sflag:s8], $0x0  }
0x24: {  	s3 =	sadd.s32 $0x88, s3;
	s6 =	simm.s32 @!p1 $0x1082;
	[sflag:s4] =	ssyncset.s32 $0xFFFFF086  }
0x25: {  	[simem:s6], [sflag:s4] =	dma.local [hbm:s3], $0xF7A  }
0x26: {  	[smem:$0x3F99] =	sst s1;
	(tag) =	ssettag s2;
	_ =	strace s9  }
0x27: {  	s1 =	sld [smem:$0x3FA9]  }
0x28: {  	s2 =	sld [smem:$0x3FAA]  }
0x29: {  	s4 =	sld [smem:$0x3FAC]  }
0x2a: {  	p0 =	seq.s32 s5, $0x0;
	s5 =	sld [smem:$0x3FAD]  }
0x2b: {  	s6 =	sld [smem:$0x3FAE]  }
0x2c: {  	s7 =	sld [smem:$0x3FAF]  }
0x2d: {  	s3 =	simm.s32 $0x108;
	s8 =	sld [smem:$0x3FB0]  }
0x2e: {  	s3 =	simm.s32 @!p0 $0x1082;
	s9 =	sld [smem:$0x3FB1]  }
0x2f: {  	lr =	sadd.s32 s0, s3;
	s0 =	sld [smem:$0x3FA8]  }
0x30: {  	s3 =	sld [smem:$0x3FAB]  }
0x31: {  	[smem:$0x3FB4] =	sst s10  }
0x32: {  	s10 =	sld [smem:$0x3FB2];
	_ =	sdelay $0x3  }
0x33: {  	p0 =	seq.s32 s10, $0x1;
	s10 =	sld [smem:$0x3FB4];
	_ =	sdelay $0x3  }
0x34: {  	[smem:$0x3FB4] =	sst s10  }
0x35: {  	s10 =	sld [smem:$0x3FB3];
	_ =	sdelay $0x3  }
0x36: {  	p1 =	seq.s32 s10, $0x1;
	s10 =	sld [smem:$0x3FB4];
	_ =	sdelay $0x3  }
0x37: {  	[smem:$0x3FB4] =	sst s10  }
0x38: {  	s10 =	sld [smem:$0x3FB5]  }
0x39: {  	_ = 	snop;
	(pc) =	sbr.ind lr, $3  }
0x3a: {  	_ = 	snop  }
0x3b: {  	_ = 	snop  }
0x3c: {  	p2 =	seq.s32 s10, $0x1;
	s10 =	sld [smem:$0x3FB4]  }
0x3d: {  	_ =	shalt  }
0x3e: {  	_ =	shalt  }
0x3f: {  	_ =	shalt  }
0x40: {  	_ =	shalt  }
0x41: {  	_ =	shalt  }
0x42: {  	_ =	shalt  }
0x43: {  	_ =	shalt  }
0x44: {  	_ =	shalt  }
0x45: {  	_ =	shalt  }
0x46: {  	_ =	shalt  }
0x47: {  	_ =	shalt  }
0x48: {  	_ =	shalt  }
0x49: {  	_ =	shalt  }
0x4a: {  	_ =	shalt  }
0x4b: {  	_ =	shalt  }
0x4c: {  	_ =	shalt  }
0x4d: {  	_ =	shalt  }
0x4e: {  	_ =	shalt  }
0x4f: {  	_ =	shalt  }
0x50: {  	_ =	shalt  }
0x51: {  	_ =	shalt  }
0x52: {  	_ =	shalt  }
0x53: {  	_ =	shalt  }
0x54: {  	_ =	shalt  }
0x55: {  	_ =	shalt  }
0x56: {  	_ =	shalt  }
0x57: {  	_ =	shalt  }
0x58: {  	_ =	shalt  }
0x59: {  	_ =	shalt  }
0x5a: {  	_ =	shalt  }
0x5b: {  	_ =	shalt  }
0x5c: {  	_ =	shalt  }
0x5d: {  	_ =	shalt  }
0x5e: {  	_ =	shalt  }
0x5f: {  	_ =	shalt  }
0x60: {  	_ =	shalt  }
0x61: {  	_ =	shalt  }
0x62: {  	_ =	shalt  }
0x63: {  	_ =	shalt  }
0x64: {  	_ =	shalt  }
0x65: {  	_ =	shalt  }
0x66: {  	_ =	shalt  }
0x67: {  	_ =	shalt  }
0x68: {  	_ =	shalt  }
0x69: {  	_ =	shalt  }
0x6a: {  	_ =	shalt  }
0x6b: {  	_ =	shalt  }
0x6c: {  	_ =	shalt  }
0x6d: {  	_ =	shalt  }
0x6e: {  	_ =	shalt  }
0x6f: {  	_ =	shalt  }
0x70: {  	_ =	shalt  }
0x71: {  	_ =	shalt  }
0x72: {  	_ =	shalt  }
0x73: {  	_ =	shalt  }
0x74: {  	_ =	shalt  }
0x75: {  	_ =	shalt  }
0x76: {  	_ =	shalt  }
0x77: {  	_ =	shalt  }
0x78: {  	_ =	shalt  }
0x79: {  	_ =	shalt  }
0x7a: {  	_ =	shalt  }
0x7b: {  	_ =	shalt  }
0x7c: {  	_ =	shalt  }
0x7d: {  	_ =	shalt  }
0x7e: {  	_ =	shalt  }
0x7f: {  	_ =	shalt  }
0x80: {  	_ =	shalt  }
0x81: {  	_ =	shalt  }
0x82: {  	_ =	shalt  }
0x83: {  	_ =	shalt  }
0x84: {  	_ =	shalt  }
0x85: {  	_ =	shalt  }
0x86: {  	_ =	shalt  }
0x87: {  	_ =	shalt  }
.Lfunc_end0:
.L_simem_size_0:
called_computation.3_lowered:
.L_overlay_start_0:
0x88: {  	s2 =	sld [smem:$0x3FD9]  }
0x89: {  	s3 =	sld [smem:$0x3FFE];
	_ =	sdelay $0x1  }
0x8a: {  	s1 =	srdreg.scid  }
0x8b: {  	s0 =	sand.u32 $0x1, s1  }
0x8c: {  	s17 =	sshll.u32 s0, $0xA;
	s2 =	sadd.s32 s3, s2  }
0x8d: {  	s2 =	sadd.s32 s2, s17  }
0x8e: {  	[smem:$0x3FC0] =	sst s2  }
0x8f: {  	_ = 	snop  }
0x90: {  	s2 =	sld [smem:$0x3FD0];
	(tm) =	ssettm $0x1  }
0x91: {  	s18 =	sld [smem:$0x3FFB];
	_ =	sdelay $0x3  }
0x92: {  	_ =	strace s18  }
0x93: {  	s3 =	sld [smem:$0x3FFC];
	_ =	sdelay $0x3  }
0x94: {  	_ =	strace s3  }
0x95: {  	s3 =	sld [smem:$0x3FFD];
	_ =	sdelay $0x3  }
0x96: {  	_ =	strace s3  }
0x97: {  	_ =	strace $0x8FFFFFFF  }
0x98: {  	s19 =	sld [smem:$0x3FDB];
	_ =	sdelay $0x1  }
0x99: {  	s4 =	simm.s32 $_scs_section_size  }
0x9a: {  	s5 =	simm.s32 $_size__tile_overlayer_lowered;
	s6 =	simm.s32 $_tile_overlayer_lowered  }
0x9b: {  	s22 =	simm.s32 $0x1BFF;
	s21 =	sshll.u32 s6, $0x1;
	s3 =	sadd.s32 s4, s19  }
0x9c: {  	s7 =	simm.s32 $0x0;
	s20 =	sshll.u32 s5, $0x1;
	s5 =	sadd.s32 s21, s3  }
0x9d: {  	[timem:s7], [sflag:s22] =	dma.local [hbm:s5], s20  }
0x9e: {  	_ =	swait.ge [sflag:s22], s20  }
0x9f: {  	s4 =	ssub.s32 $0x0, s20;
	[sflag:s22] =	ssyncset.done $0x0  }
0xa0: {  	[sflag:s22] =	ssyncadd.s32 s4;
	_ =	sdelay $0x1  }
0xa1: {  	s23 =	simm.s32 $0x1B8B  }
0xa2: {  	_ =	swait.ge [sflag:s23], $0x1  }
0xa3: {  	[sflag:s23] =	ssyncset.done $0x0  }
0xa4: {  	s25 =	simm.s32 $0x1B8E;
	s24 =	sld [smem:$0x3FFE];
	[sflag:s23] =	ssyncadd.s32 $0xFFFFFFFF  }
0xa5: {  	s26 =	simm.s32 $execute0_lowered;
	[smem:$0x3FD2] =	sst s25  }
0xa6: {  	s5 =	sshll.u32 s26, $0x1;
	_ =	strace $0x8000004F;
	[dreg:$0x1] =	wrdreg $0xFFFFFFFF  }
0xa7: {  	s28 =	simm.s32 $_size_execute0_lowered;
	s3 =	sadd.s32 s3, s5;
	[dreg:$0x0] =	wrdreg $0x0  }
0xa8: {  	s5 =	sshll.u32 s28, $0x1;
	[dreg:$0x2] =	wrdreg s3  }
0xa9: {  	[dreg:$0x3] =	wrdreg s5  }
0xaa: {  	[dreg:$0x4] =	wrdreg $0xC0  }
0xab: {  	_ =	task [dreg:s7], $0x5FFFF  }
0xac: {  	[dreg:$0x1] =	wrdreg $0xFFFFFFFF  }
0xad: {  	[dreg:$0x0] =	wrdreg $0x60  }
0xae: {  	[dreg:$0x2] =	wrdreg s24  }
0xaf: {  	[dreg:$0x3] =	wrdreg s2  }
0xb0: {  	[dreg:$0x4] =	wrdreg $0x90000  }
0xb1: {  	[dreg:$0x5] =	wrdreg $0x9  }
0xb2: {  	_ =	task.clear_ibuf [dreg:s7], $0x6FFFF;
	_ =	strace $0x9000004F  }
0xb3: {  	s29 =	simm.s32 $0x9;
	_ =	strace $0x80000051  }
0xb4: {  	_ =	swait.ge [sflag:s29], $0x1  }
0xb5: {  	[sflag:s29] =	ssyncadd.s32 $0xFFFFFFFF  }
0xb6: {  	_ =	strace $0x90000051  }
0xb7: {  	_ =	sfence  }
0xb8: {  	s30 =	sld [smem:$0x0];
	_ =	sdelay $0x2  }
0xb9: {  	s31 =	sshll.u32 s1, $0xD;
	s1 =	sshrl.u32 s1, $0x2  }
0xba: {  	s3 =	sand.u32 $0x4000, s31;
	s1 =	sadd.s32 s1, s30  }
0xbb: {  	s0 =	sor.u32 s3, s0;
	s1 =	sshll.u32 s1, $0x11  }
0xbc: {  	s0 =	sor.u32 s1, s0  }
0xbd: {  	s0 =	sadd.s32 $0x8F2B, s0  }
0xbe: {  	[sflag:s0] =	ssyncadd.remote.s32 $0x1  }
0xbf: {  	_ =	sfence.sel $0xFFFF  }
0xc0: {  	[dreg:$0x0] =	wrdreg $0xFFFFFFFF;
	(pc) =	sbr.abs _section_cstart, $3  }
0xc1: {  	[dreg:$0x1] =	wrdreg $0xFFFFFFFF  }
0xc2: {  	_ =	task.clear_ibuf [dreg:s7], $0x2FFFF;
	_ =	strace $0x9FFFFFFF  }
0xc3: {  	(tm) =	ssettm $0x7FFFFFFF  }
tec
execute0_lowered:
.L_overlay_start_1:
0x0: {  	(tag) =	ssettag $0x1  }
0x1: {  	s6 =	rddreg [dreg:$0x0]  }
0x2: {  	s0 =	srdreg.scid;
	s10 =	rddreg [dreg:$0x1]  }
0x3: {  	s2 =	rddreg [dreg:$0x2];
	s3 =	simm.s32 $0x0;
	s15 =	simm.s32 $0x2  }
0x4: {  	s16 =	simm.s32 $0x2800;
	s17 =	simm.s32 $0x80;
	s5 =	sand.u32 $0x1, s0  }
0x5: {  	s18 =	simm.s32 $0x1;
	s0 =	stileid.u32;
	s7 =	smul.u32 $0x140000, s5  }
0x6: {  	[smem:$0x7FF] =	sst s3;
	s4 =	sadd.s32 $0xD200, s6;
	s8 =	smul.u32 $0x14000, s0  }
0x7: {  	s1 =	sshll.u32 s5, $0x4;
	s9 =	smul.u32 $0x50000, s0;
	s29 =	ssub.s32 $0x2, s5  }
0x8: {  	s19 =	sshll.u32 s0, $0x6;
	s1 =	sor.u32 s0, s1;
	s31 =	sshrl.u32 s29, $0x1  }
0x9: {  	s19 =	sor.u32 $0x1C02, s19;
	s11 =	smul.u32 $0x500, s1;
	s1 =	rddreg [dreg:$0x3]  }
0xa: {  	_ =	strace $0x80000050;
	s7 =	sadd.s32 s8, s7;
	s30 =	sshrl.u32 s9, $0x2  }
0xb: {  	s14 =	ssub.s32 s29, s31;
	s7 =	sshrl.u32 s7, $0x3;
	s5 =	sadd.s32 s30, s2  }
0xc: {  	s12 =	sadd.s32 s11, s6;
	s13 =	sadd.s32 s7, s6;
	s6 =	sadd.s32 $0x4000, s5  }
0xd: {  	s7 =	sadd.s32 $0x8000, s5;
	s8 =	sadd.s32 $0xC000, s5;
	s9 =	sadd.s32 $0x10000, s5  }
0xe: {  	s10 =	sadd.s32 s10, s11;
	s20 =	sshrl.u32 s5, $0x3;
	s11 =	sadd.s32 $0x3200, s12  }
0xf: {  	v0 =	vimm.f32 $0.0e+00;
	s12 =	sadd.s32 $0x35200, s13;
	s13 =	smax.u32 s14, $0x1;
	s14 =	simm.s32 $0x5000  }
.LBB2_1:
0x10: {  	s21 =	simm.s32 $0x0;
	s22 =	simm.s32 $0x200  }
.LBB2_2:
0x11: {  	p0 =	sne.s32 s22, $0xFE00;
	[tilespmem:s21+$0x5070] =	vst v0  }
0x12: {  	[tilespmem:s21+$0x5000] =	vst v0  }
0x13: {  	[tilespmem:s21+$0x5010] =	vst v0  }
.Ltmp0:
0x14: {  	[tilespmem:s21+$0x5020] =	vst v0;
	(pc) =	sbr.rel @p0 .LBB2_2-.Ltmp0, $4  }
0x15: {  	[tilespmem:s21+$0x5030] =	vst v0  }
0x16: {  	[tilespmem:s21+$0x5040] =	vst v0  }
0x17: {  	[tilespmem:s21+$0x5050] =	vst v0  }
0x18: {  	[tilespmem:s21+$0x5060] =	vst v0;
	s21 =	sshra.s32 s22, $0x2;
	s22 =	sadd.s32 $0x200, s22  }
0x19: {  	[tilespmem:s21+$0x5070] =	vst v0  }
0x1a: {  	[tilespmem:s21+$0x5000] =	vst v0  }
0x1b: {  	[tilespmem:s21+$0x5010] =	vst v0  }
0x1c: {  	[tilespmem:s21+$0x5020] =	vst v0  }
0x1d: {  	[tilespmem:s21+$0x5030] =	vst v0  }
0x1e: {  	[tilespmem:s21+$0x5040] =	vst v0  }
0x1f: {  	[tilespmem:s21+$0x5050] =	vst v0  }
0x20: {  	[tilespmem:s21+$0x5060] =	vst v0  }
0x21: {  	[spmem:s5] =	stream.linear.scatter [tilespmem:s14], [sflag:$0x2], $0x4000, $0x38;
	[tilespmem:$0x1D000] =	vst v63  }
0x22: {  	_ =	swait.ge [sflag:s15], $0x4000  }
0x23: {  	[sflag:s15] =	ssyncset.done $0x0  }
0x24: {  	[sflag:s15] =	ssyncadd.s32 $0xFFFFC000  }
0x25: {  	[spmem:s6] =	stream.linear.scatter [tilespmem:s14], [sflag:$0x2], $0x4000, $0x38;
	[tilespmem:$0x1D000] =	vst v63  }
0x26: {  	_ =	swait.ge [sflag:s15], $0x4000  }
0x27: {  	[sflag:s15] =	ssyncset.done $0x0  }
0x28: {  	[sflag:s15] =	ssyncadd.s32 $0xFFFFC000  }
0x29: {  	[spmem:s7] =	stream.linear.scatter [tilespmem:s14], [sflag:$0x2], $0x4000, $0x38;
	[tilespmem:$0x1D000] =	vst v63  }
0x2a: {  	_ =	swait.ge [sflag:s15], $0x4000  }
0x2b: {  	[sflag:s15] =	ssyncset.done $0x0  }
0x2c: {  	[sflag:s15] =	ssyncadd.s32 $0xFFFFC000  }
0x2d: {  	[spmem:s8] =	stream.linear.scatter [tilespmem:s14], [sflag:$0x2], $0x4000, $0x38;
	[tilespmem:$0x1D000] =	vst v63  }
0x2e: {  	_ =	swait.ge [sflag:s15], $0x4000  }
0x2f: {  	[sflag:s15] =	ssyncset.done $0x0  }
0x30: {  	[sflag:s15] =	ssyncadd.s32 $0xFFFFC000  }
0x31: {  	[spmem:s9] =	stream.linear.scatter [tilespmem:s14], [sflag:$0x2], $0x4000, $0x38;
	[tilespmem:$0x1D000] =	vst v63  }
0x32: {  	_ =	swait.ge [sflag:s15], $0x4000  }
0x33: {  	[sflag:s15] =	ssyncset.done $0x0  }
0x34: {  	s29 =	simm.s32 $0x0;
	[sflag:s15] =	ssyncadd.s32 $0xFFFFC000  }
0x35: {  	[tilespmem:s29], [sflag:$0x2] =	stream.linear.gather [hbm4b:s10+s29], $0x2800, $0x38;
	[tilespmem:$0x1D000] =	vst v63  }
0x36: {  	_ =	swait.ge [sflag:s15], $0x2800  }
0x37: {  	[sflag:s15] =	ssyncset.done $0x0  }
0x38: {  	[sflag:s15] =	ssyncadd.s32 $0xFFFFD800  }
0x39: {  	[tilespmem:s16], [sflag:$0x2] =	stream.linear.gather [hbm4b:s11+s29], $0x2800, $0x38;
	[tilespmem:$0x1D000] =	vst v63  }
0x3a: {  	_ =	swait.ge [sflag:s15], $0x2800  }
0x3b: {  	[sflag:s15] =	ssyncset.done $0x0  }
0x3c: {  	[sflag:s15] =	ssyncadd.s32 $0xFFFFD800  }
0x3d: {  	s30 =	simm.s32 $0x0;
	[bflag:$0x0] =	sbarrier.arrive $0xFFFF  }
0x3e: {  	[tilespmem:s14], [sflag:$0x1] =	stream.indirect.gather [hbm4b:s4+s17], $0x80, s30, s17, $0xb8;
	[tilespmem:$0x1D000] =	vst v63  }
0x3f: {  	_ =	swait.ge [sflag:s18], $0x4000  }
0x40: {  	[sflag:s18] =	ssyncset.done $0x0  }
0x41: {  	s31 =	simm.s32 $0x2800;
	[sflag:s18] =	ssyncadd.s32 $0xFFFFC000  }
0x42: {  	[spmem:s2] =	stream.indirect.scatter.add.f32 [tilespmem:s14], [sflag:$0x2], $0x80, s31, s17, $0xb8;
	[tilespmem:$0x1D000] =	vst v63  }
0x43: {  	_ =	swait.ge [sflag:s15], $0x4000  }
0x44: {  	s21 =	simm.s32 $0x200;
	s22 =	simm.s32 $0x400;
	[sflag:s15] =	ssyncset.done $0x0  }
.LBB2_4:
0x45: {  	s23 =	sshra.s32 s21, $0x2  }
0x46: {  	[sflag:s15] =	ssyncadd.s32 $0xFFFFC000;
	s21 =	smov.u32 s22;
	s24 =	sadd.s32 $0x200, s22  }
0x47: {  	[tilespmem:s14], [sflag:$0x1] =	stream.indirect.gather [hbm4b:s4+s17], $0x80, s23, s17, $0xb8;
	[tilespmem:$0x1D000] =	vst v63  }
0x48: {  	p0 =	sne.s32 s22, $0x9E00;
	_ =	swait.ge [sflag:s18], $0x4000  }
.Ltmp1:
0x49: {  	[sflag:s18] =	ssyncset.done $0x0;
	(pc) =	sbr.rel @p0 .LBB2_4-.Ltmp1, $4  }
0x4a: {  	s22 =	sadd.s32 $0x2800, s23;
	[sflag:s18] =	ssyncadd.s32 $0xFFFFC000  }
0x4b: {  	[spmem:s2] =	stream.indirect.scatter.add.f32 [tilespmem:s14], [sflag:$0x2], $0x80, s22, s17, $0xb8;
	[tilespmem:$0x1D000] =	vst v63  }
0x4c: {  	_ =	swait.ge [sflag:s15], $0x4000  }
0x4d: {  	s22 =	smov.u32 s24;
	[sflag:s15] =	ssyncset.done $0x0  }
0x4e: {  	s21 =	sshra.s32 s21, $0x2;
	[sflag:s15] =	ssyncadd.s32 $0xFFFFC000  }
0x4f: {  	[tilespmem:s14], [sflag:$0x1] =	stream.indirect.gather [hbm4b:s4+s17], $0x80, s21, s17, $0xb8;
	[tilespmem:$0x1D000] =	vst v63  }
0x50: {  	_ =	swait.ge [sflag:s18], $0x4000  }
0x51: {  	[sflag:s18] =	ssyncset.done $0x0  }
0x52: {  	s21 =	sadd.s32 $0x2800, s21;
	[sflag:s18] =	ssyncadd.s32 $0xFFFFC000  }
0x53: {  	[spmem:s2] =	stream.indirect.scatter.add.f32 [tilespmem:s14], [sflag:$0x2], $0x80, s21, s17, $0xb8;
	[tilespmem:$0x1D000] =	vst v63  }
0x54: {  	_ =	swait.ge [sflag:s15], $0x4000  }
0x55: {  	s3 =	sadd.s32 $0x1, s3;
	[sflag:s15] =	ssyncset.done $0x0  }
0x56: {  	p0 =	sne.s32 s3, s13;
	[sflag:s15] =	ssyncadd.s32 $0xFFFFC000  }
.Ltmp2:
0x57: {  	[bflag:$0x0] =	sbarrier.arrive $0xFFFF;
	(pc) =	sbr.rel @p0 .LBB2_1-.Ltmp2, $4  }
0x58: {  	[hbm:s12], [sflag:s19] =	dma.local [spmem:s20], $0x2800  }
0x59: {  	_ =	swait.ge [sflag:s15], $0x2800  }
0x5a: {  	[sflag:s15] =	ssyncset.done $0x0  }
0x5b: {  	[sflag:s15] =	ssyncadd.s32 $0xFFFFD800  }
0x5c: {  	_ =	sfence.sel $0x180000  }
0x5d: {  	[bflag:$0x0] =	sbarrier.arrive $0xFFFF  }
0x5e: {  	p0 =	sne.s32 s0, $0x0;
	_ =	strace $0x90000050  }
0x5f: {  	s0 =	sadd.s32 @!p0 $0x100000, s1;
	[bflag:$0x2] =	sbarrier.arrive $0xFFFF  }
0x60: {  	[sflag:s0] =	ssyncadd.tile.s32 @!p0 $0x1;
	_ =	shalt  }
.Lfunc_end2:
_tile_overlayer_lowered:
.L_overlay_start_2:
0x61: {  	(tag) =	ssettag $0x2  }
0x62: {  	s0 =	rddreg [dreg:$0x0];
	s2 =	stileid.u32  }
0x63: {  	s1 =	rddreg [dreg:$0x1];
	p0 =	sne.s32 s2, $0x0  }
0x64: {  	s3 =	rddreg [dreg:$0x2];
	[bflag:$0x3] =	sbarrier.arrive $0xFFFF;
	s2 =	simm.s32 @!p0 $0x1C02  }
0x65: {  	[timem:s3], [sflag:s2] =	dma.local @!p0 [hbm:s0], s1  }
0x66: {  	s0 =	simm.s32 @!p0 $0x2  }
0x67: {  	_ =	swait.ge @!p0 [sflag:s0], s1  }
0x68: {  	s1 =	ssub.s32 @!p0 $0x0, s1;
	[sflag:s0] =	ssyncset.done @!p0 $0x0  }
0x69: {  	[sflag:s0] =	ssyncadd.s32 @!p0 s1  }
0x6a: {  	[bflag:$0x3] =	sbarrier.arrive $0xFFFF  }
0x6b: {  	_ =	shalt  }

</sc_bundles>
